<compile_context>
chip_gen: v7x
topology: tpu7x:2x2x1
jax: 0.10.2.dev20260603
libtpu: 0.0.44.dev20260713+nightly
codegen_flags: <defaults>
</compile_context>

<pallas_src>
import functools

import jax
import jax.numpy as jnp
from jax import lax
from jax.experimental import pallas as pl
from jax.experimental.pallas import tpu as pltpu
from jax.experimental.pallas import tpu_sc as plsc

D = 16
NC = 2
NS = 16
NW = NC * NS
CHUNK = 125
ALPHA = 1.0 / (D ** 0.5)


def _mesh():
    return plsc.VectorSubcoreMesh(
        core_axis_name="c", subcore_axis_name="s", num_cores=NC,
        num_subcores=NS)


def _make_gather(ep, n_nodes):
    e_per_w = ep // NW
    ch_per_w = e_per_w // CHUNK

    @functools.partial(
        pl.kernel, mesh=_mesh(),
        compiler_params=pltpu.CompilerParams(use_tc_tiling_on_sc=False),
        out_type=jax.ShapeDtypeStruct((ep, D), jnp.float32),
        scratch_types=[
            pltpu.VMEM((ch_per_w, CHUNK), jnp.int32),
            pltpu.VMEM((e_per_w, D), jnp.float32),
            pltpu.SemaphoreType.DMA,
        ],
    )
    def gather_kernel(idx_hbm, table_hbm, x_hbm, idx_v, rows_v, sem):
        wid = lax.axis_index("s") * NC + lax.axis_index("c")
        pltpu.sync_copy(idx_hbm.at[pl.ds(wid * ch_per_w, ch_per_w)], idx_v)

        def fire(j, carry):
            pltpu.async_copy(
                table_hbm.at[idx_v.at[j]],
                rows_v.at[pl.ds(j * CHUNK, CHUNK)], sem)
            return carry

        lax.fori_loop(0, ch_per_w, fire, 0)
        pltpu.make_async_copy(
            x_hbm.at[pl.ds(wid * e_per_w, e_per_w)], rows_v, sem).wait()
        pltpu.sync_copy(rows_v, x_hbm.at[pl.ds(wid * e_per_w, e_per_w)])

    return gather_kernel


def _make_scatter(ep, n_pad):
    e_per_w = ep // NW
    ch_per_w = e_per_w // CHUNK
    zrows = n_pad // NS

    @functools.partial(
        pl.kernel, mesh=_mesh(),
        compiler_params=pltpu.CompilerParams(use_tc_tiling_on_sc=False),
        out_type=(jax.ShapeDtypeStruct((NC, n_pad, D), jnp.float32),
                  jax.ShapeDtypeStruct((NC, n_pad), jnp.float32)),
        scratch_types=[
            pltpu.VMEM((ch_per_w, CHUNK), jnp.int32),
            pltpu.VMEM((e_per_w, D), jnp.float32),
            pltpu.VMEM((zrows, D), jnp.float32),
            pltpu.VMEM((zrows,), jnp.float32),
            pltpu.VMEM((((CHUNK + 15) // 16) * 16,), jnp.float32),
            pltpu.VMEM_SHARED((n_pad, D), jnp.float32),
            pltpu.VMEM_SHARED((n_pad,), jnp.float32),
        ],
    )
    def scatter_kernel(idx_hbm, tp_hbm, psum_hbm, pcnt_hbm,
                       idx_v, rows_v, zbuf, zbufc, ones_v, acc_sh, cnt_sh):
        cid = lax.axis_index("c")
        sid = lax.axis_index("s")
        wid = sid * NC + cid
        zero16 = jnp.zeros((16,), jnp.float32)
        one16 = jnp.ones((16,), jnp.float32)

        def zrow(i, carry):
            zbuf[i, :] = zero16
            return carry

        lax.fori_loop(0, zrows, zrow, 0)

        def zcnt(i, carry):
            zbufc[pl.ds(i * 16, 16)] = zero16
            return carry

        lax.fori_loop(0, zrows // 16, zcnt, 0)

        def orow(i, carry):
            ones_v[pl.ds(i * 16, 16)] = one16
            return carry

        lax.fori_loop(0, (CHUNK + 15) // 16, orow, 0)

        pltpu.sync_copy(zbuf, acc_sh.at[pl.ds(sid * zrows, zrows)])
        pltpu.sync_copy(zbufc, cnt_sh.at[pl.ds(sid * zrows, zrows)])
        plsc.subcore_barrier()

        pltpu.sync_copy(idx_hbm.at[pl.ds(wid * ch_per_w, ch_per_w)], idx_v)
        pltpu.sync_copy(tp_hbm.at[pl.ds(wid * e_per_w, e_per_w)], rows_v)

        def body(j, carry):
            pltpu.sync_copy(rows_v.at[pl.ds(j * CHUNK, CHUNK)],
                            acc_sh.at[idx_v.at[j]], add=True)
            pltpu.sync_copy(ones_v.at[pl.ds(0, CHUNK)],
                            cnt_sh.at[idx_v.at[j]], add=True)
            return carry

        lax.fori_loop(0, ch_per_w, body, 0)
        plsc.subcore_barrier()

        pltpu.sync_copy(acc_sh.at[pl.ds(sid * zrows, zrows)],
                        psum_hbm.at[cid].at[pl.ds(sid * zrows, zrows)])
        pltpu.sync_copy(cnt_sh.at[pl.ds(sid * zrows, zrows)],
                        pcnt_hbm.at[cid].at[pl.ds(sid * zrows, zrows)])

    return scatter_kernel


def _tp_body(ea_ref, x_ref, sh_ref, w1t_ref, b1t_ref, w2t_ref, b2t_ref,
             tp_ref):
    eaT = ea_ref[...]
    xsT = x_ref[...] * sh_ref[...] * ALPHA
    hT = jnp.maximum(
        jnp.dot(w1t_ref[...], eaT,
                preferred_element_type=jnp.float32) + b1t_ref[...], 0.0)
    tpwT = jnp.dot(w2t_ref[...], hT.astype(jnp.bfloat16),
                   preferred_element_type=jnp.float32) + b2t_ref[...]
    acc = xsT[0:1, :] * tpwT[0:D, :]
    for i in range(1, D):
        acc = acc + xsT[i:i + 1, :] * tpwT[i * D:(i + 1) * D, :]
    tp_ref[...] = acc


def _run_tp(eaT, xT, shT, w1t, b1t, w2t, b2t, blk=3200):
    f, ep = eaT.shape
    wn = w2t.shape[0]
    grid = (ep // blk,)
    return pl.pallas_call(
        _tp_body,
        grid=grid,
        in_specs=[
            pl.BlockSpec((f, blk), lambda i: (0, i)),
            pl.BlockSpec((D, blk), lambda i: (0, i)),
            pl.BlockSpec((1, blk), lambda i: (0, i)),
            pl.BlockSpec((f, f), lambda i: (0, 0)),
            pl.BlockSpec((f, 1), lambda i: (0, 0)),
            pl.BlockSpec((wn, f), lambda i: (0, 0)),
            pl.BlockSpec((wn, 1), lambda i: (0, 0)),
        ],
        out_specs=pl.BlockSpec((D, blk), lambda i: (0, i)),
        out_shape=jax.ShapeDtypeStruct((D, ep), jnp.float32),
    )(eaT, xT, shT, w1t, b1t, w2t, b2t)


def _make_combine(n_pad):
    rows_w = n_pad // NW

    @functools.partial(
        pl.kernel, mesh=_mesh(),
        compiler_params=pltpu.CompilerParams(
            use_tc_tiling_on_sc=False, needs_layout_passes=False),
        out_type=jax.ShapeDtypeStruct((n_pad, D), jnp.float32),
        scratch_types=[
            pltpu.VMEM((rows_w, D), jnp.float32),
            pltpu.VMEM((rows_w, D), jnp.float32),
            pltpu.VMEM((rows_w,), jnp.float32),
            pltpu.VMEM((rows_w,), jnp.float32),
            pltpu.VMEM((rows_w,), jnp.float32),
            pltpu.VMEM((rows_w, D), jnp.float32),
            pltpu.VMEM((rows_w, D), jnp.float32),
        ],
    )
    def combine_kernel(psum_hbm, pcnt_hbm, na_hbm, out_hbm,
                       p0v, p1v, c0v, c1v, invv, nav, outv):
        wid = lax.axis_index("s") * NC + lax.axis_index("c")
        base = wid * rows_w
        pltpu.sync_copy(psum_hbm.at[0].at[pl.ds(base, rows_w)], p0v)
        pltpu.sync_copy(psum_hbm.at[1].at[pl.ds(base, rows_w)], p1v)
        pltpu.sync_copy(pcnt_hbm.at[0].at[pl.ds(base, rows_w)], c0v)
        pltpu.sync_copy(pcnt_hbm.at[1].at[pl.ds(base, rows_w)], c1v)
        pltpu.sync_copy(na_hbm.at[pl.ds(base, rows_w)], nav)

        def grp(g, carry):
            c = c0v[pl.ds(g * 16, 16)] + c1v[pl.ds(g * 16, 16)]
            invv[pl.ds(g * 16, 16)] = 1.0 / jnp.maximum(c, 1.0)
            return carry

        lax.fori_loop(0, rows_w // 16, grp, 0)

        def row(r, carry):
            iv = plsc.load_gather(invv, [jnp.full((16,), r, jnp.int32)])
            outv[r, :] = (p0v[r, :] + p1v[r, :]) * iv + nav[r, :]
            return carry

        lax.fori_loop(0, rows_w, row, 0)
        pltpu.sync_copy(outv, out_hbm.at[pl.ds(base, rows_w)])

    return combine_kernel


def kernel(node_attr, edge_index, edge_attr, edge_sh, W1, b1, W2, b2):
    n_nodes, d = node_attr.shape
    e = edge_attr.shape[0]
    n_pad = ((n_nodes + 1 + NW * D - 1) // (NW * D)) * (NW * D)

    src2 = edge_index[0].astype(jnp.int32).reshape(e // CHUNK, CHUNK)
    dst2 = edge_index[1].astype(jnp.int32).reshape(e // CHUNK, CHUNK)
    na_pad = jnp.concatenate(
        [node_attr, jnp.zeros((n_pad - n_nodes, d), jnp.float32)])

    x = _make_gather(e, n_nodes)(dst2, node_attr)
    tpT = _run_tp(edge_attr.T, x.T, edge_sh.T, W1.T, b1[:, None],
                  W2.T.astype(jnp.bfloat16), b2[:, None])
    psum, pcnt = _make_scatter(e, n_pad)(src2, tpT.T)
    out_pad = _make_combine(n_pad)(psum, pcnt, na_pad)
    return out_pad[:n_nodes]

# --- scband reference (transcript-rebuilt; emitter-appended) ---
"""Pipeline reference for scband-tensor-product-conv-layer-42588895707436 (READ-ONLY COPY).

The authoritative reference and input builder live on the scoring server;
editing this copy changes nothing except your own understanding.
"""

import jax, jax.numpy as jnp
import numpy as np

N_NODES = 10000
N_EDGES = 160000
D_IN = 16      # 16x0e
D_SH = 1       # 1x0e
D_OUT = 16     # 16x0e
N_EDGE_FEAT = 16
WEIGHT_NUMEL = D_IN * D_SH * D_OUT  # 256, fully-connected TP of scalar irreps


def setup_inputs(seed: int = 0) -> dict:
    key = jax.random.key(seed)
    ks = jax.random.split(key, 10)
    node_attr = jax.random.normal(ks[0], (N_NODES, D_IN), dtype=jnp.float32)
    edge_index = jax.random.randint(ks[1], (2, N_EDGES), 0, N_NODES, dtype=jnp.int64)
    edge_attr = jax.random.normal(ks[2], (N_EDGES, N_EDGE_FEAT), dtype=jnp.float32)
    edge_sh = jax.random.normal(ks[3], (N_EDGES, D_SH), dtype=jnp.float32)
    # fc: Linear(n_edge_features, n_edge_features) -> ReLU -> Linear(n_edge_features, tp.weight_numel)
    s1 = 1.0 / np.sqrt(N_EDGE_FEAT)
    W1 = jax.random.uniform(ks[4], (N_EDGE_FEAT, N_EDGE_FEAT), jnp.float32, -s1, s1)
    b1 = jax.random.uniform(ks[5], (N_EDGE_FEAT,), jnp.float32, -s1, s1)
    W2 = jax.random.uniform(ks[6], (N_EDGE_FEAT, WEIGHT_NUMEL), jnp.float32, -s1, s1)
    b2 = jax.random.uniform(ks[7], (WEIGHT_NUMEL,), jnp.float32, -s1, s1)
    return {"node_attr": node_attr, "edge_index": edge_index, "edge_attr": edge_attr,
            "edge_sh": edge_sh, "W1": W1, "b1": b1, "W2": W2, "b2": b2}


def reference(node_attr, edge_index, edge_attr, edge_sh, W1, b1, W2, b2):
    # norm1/ffn1/time_gate disabled (norm='none', ffn=False, time_gate=False)
    edge_src = edge_index[0]
    edge_dst = edge_index[1]
    E = edge_attr.shape[0]
    # fc MLP producing per-edge TP weights
    h = jax.nn.relu(edge_attr @ W1 + b1)
    tp_w = (h @ W2 + b2).reshape(E, D_IN, D_SH, D_OUT)
    # FullyConnectedTensorProduct on scalar irreps (single 0e x 0e -> 0e path),
    # e3nn path normalization: 1/sqrt(fan_in), fan_in = mul_in1 * mul_in2
    x = jnp.take(node_attr, edge_dst, axis=0)  # gather [E, D_IN]
    alpha = 1.0 / jnp.sqrt(jnp.asarray(D_IN * D_SH, dtype=jnp.float32))
    tp = jnp.einsum('ei,ej,eijo->eo', x, edge_sh, tp_w) * alpha  # [E, D_OUT]
    # scatter(..., reduce='mean') over edge_src with dim_size = n_nodes
    out_nodes = node_attr.shape[0]
    summed = jax.ops.segment_sum(tp, edge_src, num_segments=out_nodes)
    counts = jax.ops.segment_sum(jnp.ones((E,), dtype=tp.dtype), edge_src, num_segments=out_nodes)
    out = summed / jnp.clip(counts, 1.0, None)[:, None]
    # residual: out[:, :d_in] += node_attr (d_in == d_out here)
    out = out + node_attr
    return out

if __name__ == "__main__":
    import jax
    _d = setup_inputs()
    print(jax.jit(kernel)(*tuple(_d.values())))

</pallas_src>

<mosaic_0001>
#map = affine_map<(d0, d1) -> (0, 0)>
module attributes {stable_mosaic.version = 14 : i64} {
  func.func @gather_kernel(%arg0: i32, %arg1: i32, %arg2: memref<1280x125xi32, #tpu.memory_space<hbm>>, %arg3: memref<10000x16xf32, #tpu.memory_space<hbm>>, %arg4: memref<160000x16xf32, #tpu.memory_space<hbm>>, %arg5: memref<40x125xi32, #tpu.memory_space<vmem>>, %arg6: memref<5000x16xf32, #tpu.memory_space<vmem>>, %arg7: memref<!tpu.dma_semaphore, #tpu.memory_space<semaphore_mem>>) attributes {dimension_semantics = [#tpu.dimension_semantics<core_parallel>, #tpu.dimension_semantics<subcore_parallel>], iteration_bounds = array<i64: 2, 16>, scalar_prefetch = 0 : i64, scratch_operands = 3 : i64, tpu.core_type = #tpu.core_type<sc_vector_subcore>, window_params = [{transform_indices = #map}, {transform_indices = #map}, {transform_indices = #map}]} {
    %mul3A = arith.constant 2 : i32
    %mul3A_0 = arith.muli %arg1, %mul3A : i32
    %add3A = arith.addi %mul3A_0, %arg0 : i32
    %mul3A_1 = arith.constant 40 : i32
    %mul3A_2 = arith.muli %add3A, %mul3A_1 : i32
    "tpu.region"() ({
      %run_scoped3A = tpu.sem_alloc : memref<!tpu.dma_semaphore, #tpu.memory_space<semaphore_mem>>
      %dma_start3A = arith.constant 0 : i32
      %dma_start3A_15 = tpu.memref_slice %arg2[%mul3A_2, %dma_start3A] : memref<1280x125xi32, #tpu.memory_space<hbm>> -> memref<40x125xi32, #tpu.memory_space<hbm>>
      %dma_start3A_16 = arith.constant 0 : i32
      %dma_start3A_17 = tpu.memref_slice %arg2[%mul3A_2, %dma_start3A_16] : memref<1280x125xi32, #tpu.memory_space<hbm>> -> memref<40x125xi32, #tpu.memory_space<hbm>>
      tpu.enqueue_dma source(%dma_start3A_17 : memref<40x125xi32, #tpu.memory_space<hbm>>) target(%arg5 : memref<40x125xi32, #tpu.memory_space<vmem>>) target_semaphore(%run_scoped3A : memref<!tpu.dma_semaphore, #tpu.memory_space<semaphore_mem>>)
      %dma_wait3A_18 = arith.constant 0 : i32
      %dma_wait3A_19 = tpu.memref_slice %arg2[%mul3A_2, %dma_wait3A_18] : memref<1280x125xi32, #tpu.memory_space<hbm>> -> memref<40x125xi32, #tpu.memory_space<hbm>>
      %dma_wait3A_20 = arith.constant 0 : i32
      %dma_wait3A_21 = tpu.memref_slice %arg2[%mul3A_2, %dma_wait3A_20] : memref<1280x125xi32, #tpu.memory_space<hbm>> -> memref<40x125xi32, #tpu.memory_space<hbm>>
      tpu.wait_dma2 semaphore(%run_scoped3A : memref<!tpu.dma_semaphore, #tpu.memory_space<semaphore_mem>>) src(%dma_wait3A_21 : memref<40x125xi32, #tpu.memory_space<hbm>>) dst(%arg5 : memref<40x125xi32, #tpu.memory_space<vmem>>)
      tpu.yield
    }) : () -> ()
    %scan3A = arith.constant 0 : i32
    %scan3A_3 = arith.constant 0 : i32
    %scan3A_4 = arith.constant 40 : i32
    %scan3A_5 = arith.addi %scan3A_3, %scan3A_4 : i32
    %scan3A_6 = arith.constant 1 : i32
    scf.for %scan3A_15 = %scan3A_3 to %scan3A_5 step %scan3A_6  : i32 {
      %mul3A_16 = arith.constant 125 : i32
      %mul3A_17 = arith.muli %scan3A_15, %mul3A_16 : i32
      %dma_start3A = arith.constant 0 : i32
      %dma_start3A_18 = tpu.memref_slice %arg6[%mul3A_17, %dma_start3A] : memref<5000x16xf32, #tpu.memory_space<vmem>> -> memref<125x16xf32, #tpu.memory_space<vmem>>
      %dma_start3A_19 = arith.constant 0 : i32
      %dma_start3A_20 = tpu.memref_slice %arg5[%scan3A_15, %dma_start3A_19] : memref<40x125xi32, #tpu.memory_space<vmem>> -> memref<1x125xi32, #tpu.memory_space<vmem>>
      %dma_start3A_21 = tpu.memref_squeeze %dma_start3A_20 : memref<1x125xi32, #tpu.memory_space<vmem>> -> memref<125xi32, #tpu.memory_space<vmem>>
      %dma_start3A_22 = arith.constant 0 : i32
      %dma_start3A_23 = arith.constant 0 : i32
      %dma_start3A_24 = tpu.memref_slice %arg3[%dma_start3A_22, %dma_start3A_23] : memref<10000x16xf32, #tpu.memory_space<hbm>> -> memref<10000x16xf32, #tpu.memory_space<hbm>>
      tpu.enqueue_indirect_dma source(%dma_start3A_24 : memref<10000x16xf32, #tpu.memory_space<hbm>>) target(%dma_start3A_18 : memref<125x16xf32, #tpu.memory_space<vmem>>) offsets(%dma_start3A_21 : memref<125xi32, #tpu.memory_space<vmem>>) semaphore(%arg7 : memref<!tpu.dma_semaphore, #tpu.memory_space<semaphore_mem>>)
    }
    %scan3A_7 = arith.constant 40 : i32
    %mul3A_8 = arith.constant 5000 : i32
    %mul3A_9 = arith.muli %add3A, %mul3A_8 : i32
    %dma_wait3A = arith.constant 0 : i32
    %dma_wait3A_10 = tpu.memref_slice %arg4[%mul3A_9, %dma_wait3A] : memref<160000x16xf32, #tpu.memory_space<hbm>> -> memref<5000x16xf32, #tpu.memory_space<hbm>>
    %dma_wait3A_11 = arith.constant 0 : i32
    %dma_wait3A_12 = tpu.memref_slice %arg4[%mul3A_9, %dma_wait3A_11] : memref<160000x16xf32, #tpu.memory_space<hbm>> -> memref<5000x16xf32, #tpu.memory_space<hbm>>
    tpu.wait_dma2 semaphore(%arg7 : memref<!tpu.dma_semaphore, #tpu.memory_space<semaphore_mem>>) src(%dma_wait3A_12 : memref<5000x16xf32, #tpu.memory_space<hbm>>) dst(%arg6 : memref<5000x16xf32, #tpu.memory_space<vmem>>)
    %mul3A_13 = arith.constant 5000 : i32
    %mul3A_14 = arith.muli %add3A, %mul3A_13 : i32
    "tpu.region"() ({
      %run_scoped3A = tpu.sem_alloc : memref<!tpu.dma_semaphore, #tpu.memory_space<semaphore_mem>>
      %dma_start3A = arith.constant 0 : i32
      %dma_start3A_15 = tpu.memref_slice %arg4[%mul3A_14, %dma_start3A] : memref<160000x16xf32, #tpu.memory_space<hbm>> -> memref<5000x16xf32, #tpu.memory_space<hbm>>
      %dma_start3A_16 = arith.constant 0 : i32
      %dma_start3A_17 = tpu.memref_slice %arg4[%mul3A_14, %dma_start3A_16] : memref<160000x16xf32, #tpu.memory_space<hbm>> -> memref<5000x16xf32, #tpu.memory_space<hbm>>
      tpu.enqueue_dma source(%arg6 : memref<5000x16xf32, #tpu.memory_space<vmem>>) target(%dma_start3A_17 : memref<5000x16xf32, #tpu.memory_space<hbm>>) target_semaphore(%run_scoped3A : memref<!tpu.dma_semaphore, #tpu.memory_space<semaphore_mem>>)
      %dma_wait3A_18 = arith.constant 0 : i32
      %dma_wait3A_19 = tpu.memref_slice %arg4[%mul3A_14, %dma_wait3A_18] : memref<160000x16xf32, #tpu.memory_space<hbm>> -> memref<5000x16xf32, #tpu.memory_space<hbm>>
      %dma_wait3A_20 = arith.constant 0 : i32
      %dma_wait3A_21 = tpu.memref_slice %arg4[%mul3A_14, %dma_wait3A_20] : memref<160000x16xf32, #tpu.memory_space<hbm>> -> memref<5000x16xf32, #tpu.memory_space<hbm>>
      tpu.wait_dma2 semaphore(%run_scoped3A : memref<!tpu.dma_semaphore, #tpu.memory_space<semaphore_mem>>) src(%arg6 : memref<5000x16xf32, #tpu.memory_space<vmem>>) dst(%dma_wait3A_21 : memref<5000x16xf32, #tpu.memory_space<hbm>>)
      tpu.yield
    }) : () -> ()
    return
  }
}

#map = affine_map<(d0, d1) -> (0, 0, 0)>
#map1 = affine_map<(d0, d1) -> (0, 0)>
module attributes {stable_mosaic.version = 14 : i64} {
  func.func @combine_kernel(%arg0: i32, %arg1: i32, %arg2: memref<2x10240x16xf32, #tpu.memory_space<hbm>>, %arg3: memref<2x10240xf32, #tpu.memory_space<hbm>>, %arg4: memref<10240x16xf32, #tpu.memory_space<hbm>>, %arg5: memref<10240x16xf32, #tpu.memory_space<hbm>>, %arg6: memref<320x16xf32, #tpu.memory_space<vmem>>, %arg7: memref<320x16xf32, #tpu.memory_space<vmem>>, %arg8: memref<320xf32, #tpu.memory_space<vmem>>, %arg9: memref<320xf32, #tpu.memory_space<vmem>>, %arg10: memref<320xf32, #tpu.memory_space<vmem>>, %arg11: memref<320x16xf32, #tpu.memory_space<vmem>>, %arg12: memref<320x16xf32, #tpu.memory_space<vmem>>) attributes {dimension_semantics = [#tpu.dimension_semantics<core_parallel>, #tpu.dimension_semantics<subcore_parallel>], iteration_bounds = array<i64: 2, 16>, scalar_prefetch = 0 : i64, scratch_operands = 7 : i64, tpu.core_type = #tpu.core_type<sc_vector_subcore>, window_params = [{transform_indices = #map}, {transform_indices = #map1}, {transform_indices = #map1}, {transform_indices = #map1}]} {
    %mul3A = arith.constant 2 : i32
    %mul3A_0 = arith.muli %arg1, %mul3A : i32
    %add3A = arith.addi %mul3A_0, %arg0 : i32
    %mul3A_1 = arith.constant 320 : i32
    %mul3A_2 = arith.muli %add3A, %mul3A_1 : i32
    %run_scoped3A = arith.constant 0 : i32
    "tpu.region"() ({
      %run_scoped3A_17 = tpu.sem_alloc : memref<!tpu.dma_semaphore, #tpu.memory_space<semaphore_mem>>
      %dma_start3A = arith.constant 0 : i32
      %dma_start3A_18 = arith.constant 0 : i32
      %dma_start3A_19 = tpu.memref_slice %arg2[%run_scoped3A, %dma_start3A, %dma_start3A_18] : memref<2x10240x16xf32, #tpu.memory_space<hbm>> -> memref<1x10240x16xf32, #tpu.memory_space<hbm>>
      %dma_start3A_20 = tpu.memref_squeeze %dma_start3A_19 : memref<1x10240x16xf32, #tpu.memory_space<hbm>> -> memref<10240x16xf32, #tpu.memory_space<hbm>>
      %dma_start3A_21 = arith.constant 0 : i32
      %dma_start3A_22 = tpu.memref_slice %dma_start3A_20[%mul3A_2, %dma_start3A_21] : memref<10240x16xf32, #tpu.memory_space<hbm>> -> memref<320x16xf32, #tpu.memory_space<hbm>>
      %dma_start3A_23 = arith.constant 0 : i32
      %dma_start3A_24 = arith.constant 0 : i32
      %dma_start3A_25 = tpu.memref_slice %arg2[%run_scoped3A, %dma_start3A_23, %dma_start3A_24] : memref<2x10240x16xf32, #tpu.memory_space<hbm>> -> memref<1x10240x16xf32, #tpu.memory_space<hbm>>
      %dma_start3A_26 = tpu.memref_squeeze %dma_start3A_25 : memref<1x10240x16xf32, #tpu.memory_space<hbm>> -> memref<10240x16xf32, #tpu.memory_space<hbm>>
      %dma_start3A_27 = arith.constant 0 : i32
      %dma_start3A_28 = tpu.memref_slice %dma_start3A_26[%mul3A_2, %dma_start3A_27] : memref<10240x16xf32, #tpu.memory_space<hbm>> -> memref<320x16xf32, #tpu.memory_space<hbm>>
      tpu.enqueue_dma source(%dma_start3A_28 : memref<320x16xf32, #tpu.memory_space<hbm>>) target(%arg6 : memref<320x16xf32, #tpu.memory_space<vmem>>) target_semaphore(%run_scoped3A_17 : memref<!tpu.dma_semaphore, #tpu.memory_space<semaphore_mem>>)
      %dma_wait3A = arith.constant 0 : i32
      %dma_wait3A_29 = arith.constant 0 : i32
      %dma_wait3A_30 = tpu.memref_slice %arg2[%run_scoped3A, %dma_wait3A, %dma_wait3A_29] : memref<2x10240x16xf32, #tpu.memory_space<hbm>> -> memref<1x10240x16xf32, #tpu.memory_space<hbm>>
      %dma_wait3A_31 = tpu.memref_squeeze %dma_wait3A_30 : memref<1x10240x16xf32, #tpu.memory_space<hbm>> -> memref<10240x16xf32, #tpu.memory_space<hbm>>
      %dma_wait3A_32 = arith.constant 0 : i32
      %dma_wait3A_33 = tpu.memref_slice %dma_wait3A_31[%mul3A_2, %dma_wait3A_32] : memref<10240x16xf32, #tpu.memory_space<hbm>> -> memref<320x16xf32, #tpu.memory_space<hbm>>
      %dma_wait3A_34 = arith.constant 0 : i32
      %dma_wait3A_35 = arith.constant 0 : i32
      %dma_wait3A_36 = tpu.memref_slice %arg2[%run_scoped3A, %dma_wait3A_34, %dma_wait3A_35] : memref<2x10240x16xf32, #tpu.memory_space<hbm>> -> memref<1x10240x16xf32, #tpu.memory_space<hbm>>
      %dma_wait3A_37 = tpu.memref_squeeze %dma_wait3A_36 : memref<1x10240x16xf32, #tpu.memory_space<hbm>> -> memref<10240x16xf32, #tpu.memory_space<hbm>>
      %dma_wait3A_38 = arith.constant 0 : i32
      %dma_wait3A_39 = tpu.memref_slice %dma_wait3A_37[%mul3A_2, %dma_wait3A_38] : memref<10240x16xf32, #tpu.memory_space<hbm>> -> memref<320x16xf32, #tpu.memory_space<hbm>>
      tpu.wait_dma2 semaphore(%run_scoped3A_17 : memref<!tpu.dma_semaphore, #tpu.memory_space<semaphore_mem>>) src(%dma_wait3A_39 : memref<320x16xf32, #tpu.memory_space<hbm>>) dst(%arg6 : memref<320x16xf32, #tpu.memory_space<vmem>>)
      tpu.yield
    }) : () -> ()
    %run_scoped3A_3 = arith.constant 1 : i32
    "tpu.region"() ({
      %run_scoped3A_17 = tpu.sem_alloc : memref<!tpu.dma_semaphore, #tpu.memory_space<semaphore_mem>>
      %dma_start3A = arith.constant 0 : i32
      %dma_start3A_18 = arith.constant 0 : i32
      %dma_start3A_19 = tpu.memref_slice %arg2[%run_scoped3A_3, %dma_start3A, %dma_start3A_18] : memref<2x10240x16xf32, #tpu.memory_space<hbm>> -> memref<1x10240x16xf32, #tpu.memory_space<hbm>>
      %dma_start3A_20 = tpu.memref_squeeze %dma_start3A_19 : memref<1x10240x16xf32, #tpu.memory_space<hbm>> -> memref<10240x16xf32, #tpu.memory_space<hbm>>
      %dma_start3A_21 = arith.constant 0 : i32
      %dma_start3A_22 = tpu.memref_slice %dma_start3A_20[%mul3A_2, %dma_start3A_21] : memref<10240x16xf32, #tpu.memory_space<hbm>> -> memref<320x16xf32, #tpu.memory_space<hbm>>
      %dma_start3A_23 = arith.constant 0 : i32
      %dma_start3A_24 = arith.constant 0 : i32
      %dma_start3A_25 = tpu.memref_slice %arg2[%run_scoped3A_3, %dma_start3A_23, %dma_start3A_24] : memref<2x10240x16xf32, #tpu.memory_space<hbm>> -> memref<1x10240x16xf32, #tpu.memory_space<hbm>>
      %dma_start3A_26 = tpu.memref_squeeze %dma_start3A_25 : memref<1x10240x16xf32, #tpu.memory_space<hbm>> -> memref<10240x16xf32, #tpu.memory_space<hbm>>
      %dma_start3A_27 = arith.constant 0 : i32
      %dma_start3A_28 = tpu.memref_slice %dma_start3A_26[%mul3A_2, %dma_start3A_27] : memref<10240x16xf32, #tpu.memory_space<hbm>> -> memref<320x16xf32, #tpu.memory_space<hbm>>
      tpu.enqueue_dma source(%dma_start3A_28 : memref<320x16xf32, #tpu.memory_space<hbm>>) target(%arg7 : memref<320x16xf32, #tpu.memory_space<vmem>>) target_semaphore(%run_scoped3A_17 : memref<!tpu.dma_semaphore, #tpu.memory_space<semaphore_mem>>)
      %dma_wait3A = arith.constant 0 : i32
      %dma_wait3A_29 = arith.constant 0 : i32
      %dma_wait3A_30 = tpu.memref_slice %arg2[%run_scoped3A_3, %dma_wait3A, %dma_wait3A_29] : memref<2x10240x16xf32, #tpu.memory_space<hbm>> -> memref<1x10240x16xf32, #tpu.memory_space<hbm>>
      %dma_wait3A_31 = tpu.memref_squeeze %dma_wait3A_30 : memref<1x10240x16xf32, #tpu.memory_space<hbm>> -> memref<10240x16xf32, #tpu.memory_space<hbm>>
      %dma_wait3A_32 = arith.constant 0 : i32
      %dma_wait3A_33 = tpu.memref_slice %dma_wait3A_31[%mul3A_2, %dma_wait3A_32] : memref<10240x16xf32, #tpu.memory_space<hbm>> -> memref<320x16xf32, #tpu.memory_space<hbm>>
      %dma_wait3A_34 = arith.constant 0 : i32
      %dma_wait3A_35 = arith.constant 0 : i32
      %dma_wait3A_36 = tpu.memref_slice %arg2[%run_scoped3A_3, %dma_wait3A_34, %dma_wait3A_35] : memref<2x10240x16xf32, #tpu.memory_space<hbm>> -> memref<1x10240x16xf32, #tpu.memory_space<hbm>>
      %dma_wait3A_37 = tpu.memref_squeeze %dma_wait3A_36 : memref<1x10240x16xf32, #tpu.memory_space<hbm>> -> memref<10240x16xf32, #tpu.memory_space<hbm>>
      %dma_wait3A_38 = arith.constant 0 : i32
      %dma_wait3A_39 = tpu.memref_slice %dma_wait3A_37[%mul3A_2, %dma_wait3A_38] : memref<10240x16xf32, #tpu.memory_space<hbm>> -> memref<320x16xf32, #tpu.memory_space<hbm>>
      tpu.wait_dma2 semaphore(%run_scoped3A_17 : memref<!tpu.dma_semaphore, #tpu.memory_space<semaphore_mem>>) src(%dma_wait3A_39 : memref<320x16xf32, #tpu.memory_space<hbm>>) dst(%arg7 : memref<320x16xf32, #tpu.memory_space<vmem>>)
      tpu.yield
    }) : () -> ()
    %run_scoped3A_4 = arith.constant 0 : i32
    "tpu.region"() ({
      %run_scoped3A_17 = tpu.sem_alloc : memref<!tpu.dma_semaphore, #tpu.memory_space<semaphore_mem>>
      %dma_start3A = arith.constant 0 : i32
      %dma_start3A_18 = tpu.memref_slice %arg3[%run_scoped3A_4, %dma_start3A] : memref<2x10240xf32, #tpu.memory_space<hbm>> -> memref<1x10240xf32, #tpu.memory_space<hbm>>
      %dma_start3A_19 = tpu.memref_squeeze %dma_start3A_18 : memref<1x10240xf32, #tpu.memory_space<hbm>> -> memref<10240xf32, #tpu.memory_space<hbm>>
      %dma_start3A_20 = tpu.memref_slice %dma_start3A_19[%mul3A_2] : memref<10240xf32, #tpu.memory_space<hbm>> -> memref<320xf32, #tpu.memory_space<hbm>>
      %dma_start3A_21 = arith.constant 0 : i32
      %dma_start3A_22 = tpu.memref_slice %arg3[%run_scoped3A_4, %dma_start3A_21] : memref<2x10240xf32, #tpu.memory_space<hbm>> -> memref<1x10240xf32, #tpu.memory_space<hbm>>
      %dma_start3A_23 = tpu.memref_squeeze %dma_start3A_22 : memref<1x10240xf32, #tpu.memory_space<hbm>> -> memref<10240xf32, #tpu.memory_space<hbm>>
      %dma_start3A_24 = tpu.memref_slice %dma_start3A_23[%mul3A_2] : memref<10240xf32, #tpu.memory_space<hbm>> -> memref<320xf32, #tpu.memory_space<hbm>>
      tpu.enqueue_dma source(%dma_start3A_24 : memref<320xf32, #tpu.memory_space<hbm>>) target(%arg8 : memref<320xf32, #tpu.memory_space<vmem>>) target_semaphore(%run_scoped3A_17 : memref<!tpu.dma_semaphore, #tpu.memory_space<semaphore_mem>>)
      %dma_wait3A = arith.constant 0 : i32
      %dma_wait3A_25 = tpu.memref_slice %arg3[%run_scoped3A_4, %dma_wait3A] : memref<2x10240xf32, #tpu.memory_space<hbm>> -> memref<1x10240xf32, #tpu.memory_space<hbm>>
      %dma_wait3A_26 = tpu.memref_squeeze %dma_wait3A_25 : memref<1x10240xf32, #tpu.memory_space<hbm>> -> memref<10240xf32, #tpu.memory_space<hbm>>
      %dma_wait3A_27 = tpu.memref_slice %dma_wait3A_26[%mul3A_2] : memref<10240xf32, #tpu.memory_space<hbm>> -> memref<320xf32, #tpu.memory_space<hbm>>
      %dma_wait3A_28 = arith.constant 0 : i32
      %dma_wait3A_29 = tpu.memref_slice %arg3[%run_scoped3A_4, %dma_wait3A_28] : memref<2x10240xf32, #tpu.memory_space<hbm>> -> memref<1x10240xf32, #tpu.memory_space<hbm>>
      %dma_wait3A_30 = tpu.memref_squeeze %dma_wait3A_29 : memref<1x10240xf32, #tpu.memory_space<hbm>> -> memref<10240xf32, #tpu.memory_space<hbm>>
      %dma_wait3A_31 = tpu.memref_slice %dma_wait3A_30[%mul3A_2] : memref<10240xf32, #tpu.memory_space<hbm>> -> memref<320xf32, #tpu.memory_space<hbm>>
      tpu.wait_dma2 semaphore(%run_scoped3A_17 : memref<!tpu.dma_semaphore, #tpu.memory_space<semaphore_mem>>) src(%dma_wait3A_31 : memref<320xf32, #tpu.memory_space<hbm>>) dst(%arg8 : memref<320xf32, #tpu.memory_space<vmem>>)
      tpu.yield
    }) : () -> ()
    %run_scoped3A_5 = arith.constant 1 : i32
    "tpu.region"() ({
      %run_scoped3A_17 = tpu.sem_alloc : memref<!tpu.dma_semaphore, #tpu.memory_space<semaphore_mem>>
      %dma_start3A = arith.constant 0 : i32
      %dma_start3A_18 = tpu.memref_slice %arg3[%run_scoped3A_5, %dma_start3A] : memref<2x10240xf32, #tpu.memory_space<hbm>> -> memref<1x10240xf32, #tpu.memory_space<hbm>>
      %dma_start3A_19 = tpu.memref_squeeze %dma_start3A_18 : memref<1x10240xf32, #tpu.memory_space<hbm>> -> memref<10240xf32, #tpu.memory_space<hbm>>
      %dma_start3A_20 = tpu.memref_slice %dma_start3A_19[%mul3A_2] : memref<10240xf32, #tpu.memory_space<hbm>> -> memref<320xf32, #tpu.memory_space<hbm>>
      %dma_start3A_21 = arith.constant 0 : i32
      %dma_start3A_22 = tpu.memref_slice %arg3[%run_scoped3A_5, %dma_start3A_21] : memref<2x10240xf32, #tpu.memory_space<hbm>> -> memref<1x10240xf32, #tpu.memory_space<hbm>>
      %dma_start3A_23 = tpu.memref_squeeze %dma_start3A_22 : memref<1x10240xf32, #tpu.memory_space<hbm>> -> memref<10240xf32, #tpu.memory_space<hbm>>
      %dma_start3A_24 = tpu.memref_slice %dma_start3A_23[%mul3A_2] : memref<10240xf32, #tpu.memory_space<hbm>> -> memref<320xf32, #tpu.memory_space<hbm>>
      tpu.enqueue_dma source(%dma_start3A_24 : memref<320xf32, #tpu.memory_space<hbm>>) target(%arg9 : memref<320xf32, #tpu.memory_space<vmem>>) target_semaphore(%run_scoped3A_17 : memref<!tpu.dma_semaphore, #tpu.memory_space<semaphore_mem>>)
      %dma_wait3A = arith.constant 0 : i32
      %dma_wait3A_25 = tpu.memref_slice %arg3[%run_scoped3A_5, %dma_wait3A] : memref<2x10240xf32, #tpu.memory_space<hbm>> -> memref<1x10240xf32, #tpu.memory_space<hbm>>
      %dma_wait3A_26 = tpu.memref_squeeze %dma_wait3A_25 : memref<1x10240xf32, #tpu.memory_space<hbm>> -> memref<10240xf32, #tpu.memory_space<hbm>>
      %dma_wait3A_27 = tpu.memref_slice %dma_wait3A_26[%mul3A_2] : memref<10240xf32, #tpu.memory_space<hbm>> -> memref<320xf32, #tpu.memory_space<hbm>>
      %dma_wait3A_28 = arith.constant 0 : i32
      %dma_wait3A_29 = tpu.memref_slice %arg3[%run_scoped3A_5, %dma_wait3A_28] : memref<2x10240xf32, #tpu.memory_space<hbm>> -> memref<1x10240xf32, #tpu.memory_space<hbm>>
      %dma_wait3A_30 = tpu.memref_squeeze %dma_wait3A_29 : memref<1x10240xf32, #tpu.memory_space<hbm>> -> memref<10240xf32, #tpu.memory_space<hbm>>
      %dma_wait3A_31 = tpu.memref_slice %dma_wait3A_30[%mul3A_2] : memref<10240xf32, #tpu.memory_space<hbm>> -> memref<320xf32, #tpu.memory_space<hbm>>
      tpu.wait_dma2 semaphore(%run_scoped3A_17 : memref<!tpu.dma_semaphore, #tpu.memory_space<semaphore_mem>>) src(%dma_wait3A_31 : memref<320xf32, #tpu.memory_space<hbm>>) dst(%arg9 : memref<320xf32, #tpu.memory_space<vmem>>)
      tpu.yield
    }) : () -> ()
    "tpu.region"() ({
      %run_scoped3A_17 = tpu.sem_alloc : memref<!tpu.dma_semaphore, #tpu.memory_space<semaphore_mem>>
      %dma_start3A = arith.constant 0 : i32
      %dma_start3A_18 = tpu.memref_slice %arg4[%mul3A_2, %dma_start3A] : memref<10240x16xf32, #tpu.memory_space<hbm>> -> memref<320x16xf32, #tpu.memory_space<hbm>>
      %dma_start3A_19 = arith.constant 0 : i32
      %dma_start3A_20 = tpu.memref_slice %arg4[%mul3A_2, %dma_start3A_19] : memref<10240x16xf32, #tpu.memory_space<hbm>> -> memref<320x16xf32, #tpu.memory_space<hbm>>
      tpu.enqueue_dma source(%dma_start3A_20 : memref<320x16xf32, #tpu.memory_space<hbm>>) target(%arg11 : memref<320x16xf32, #tpu.memory_space<vmem>>) target_semaphore(%run_scoped3A_17 : memref<!tpu.dma_semaphore, #tpu.memory_space<semaphore_mem>>)
      %dma_wait3A = arith.constant 0 : i32
      %dma_wait3A_21 = tpu.memref_slice %arg4[%mul3A_2, %dma_wait3A] : memref<10240x16xf32, #tpu.memory_space<hbm>> -> memref<320x16xf32, #tpu.memory_space<hbm>>
      %dma_wait3A_22 = arith.constant 0 : i32
      %dma_wait3A_23 = tpu.memref_slice %arg4[%mul3A_2, %dma_wait3A_22] : memref<10240x16xf32, #tpu.memory_space<hbm>> -> memref<320x16xf32, #tpu.memory_space<hbm>>
      tpu.wait_dma2 semaphore(%run_scoped3A_17 : memref<!tpu.dma_semaphore, #tpu.memory_space<semaphore_mem>>) src(%dma_wait3A_23 : memref<320x16xf32, #tpu.memory_space<hbm>>) dst(%arg11 : memref<320x16xf32, #tpu.memory_space<vmem>>)
      tpu.yield
    }) : () -> ()
    %scan3A = arith.constant 0 : i32
    %scan3A_6 = arith.constant 0 : i32
    %scan3A_7 = arith.constant 20 : i32
    %scan3A_8 = arith.addi %scan3A_6, %scan3A_7 : i32
    %scan3A_9 = arith.constant 1 : i32
    scf.for %scan3A_17 = %scan3A_6 to %scan3A_8 step %scan3A_9  : i32 {
      %mul3A_18 = arith.constant 16 : i32
      %mul3A_19 = arith.muli %scan3A_17, %mul3A_18 : i32
      %get3A = arith.index_cast %mul3A_19 : i32 to index
      %get3A_20 = tpu.vector_load %arg8[%get3A] {strides = array<i32>} : memref<320xf32, #tpu.memory_space<vmem>>, vector<16xf32>,
      %mul3A_21 = arith.constant 16 : i32
      %mul3A_22 = arith.muli %scan3A_17, %mul3A_21 : i32
      %get3A_23 = arith.index_cast %mul3A_22 : i32 to index
      %get3A_24 = tpu.vector_load %arg9[%get3A_23] {strides = array<i32>} : memref<320xf32, #tpu.memory_space<vmem>>, vector<16xf32>,
      %add3A_25 = arith.addf %get3A_20, %get3A_24 : vector<16xf32>
      %max3A = arith.constant 1.000000e+00 : f32
      %max3A_26 = vector.broadcast %max3A : f32 to vector<16xf32>
      %max3A_27 = arith.maximumf %add3A_25, %max3A_26 : vector<16xf32>
      %div3A = arith.constant 1.000000e+00 : f32
      %div3A_28 = vector.broadcast %div3A : f32 to vector<16xf32>
      %div3A_29 = arith.divf %div3A_28, %max3A_27 : vector<16xf32>
      %mul3A_30 = arith.constant 16 : i32
      %mul3A_31 = arith.muli %scan3A_17, %mul3A_30 : i32
      %swap3A = arith.index_cast %mul3A_31 : i32 to index
      %swap3A_32 = tpu.vector_load %arg10[%swap3A] {strides = array<i32>} : memref<320xf32, #tpu.memory_space<vmem>>, vector<16xf32>,
      tpu.vector_store %arg10[%swap3A], %div3A_29 {strides = array<i32>} : memref<320xf32, #tpu.memory_space<vmem>>, vector<16xf32>,
    }
    %scan3A_10 = arith.constant 20 : i32
    %scan3A_11 = arith.constant 0 : i32
    %scan3A_12 = arith.constant 0 : i32
    %scan3A_13 = arith.constant 320 : i32
    %scan3A_14 = arith.addi %scan3A_12, %scan3A_13 : i32
    %scan3A_15 = arith.constant 1 : i32
    scf.for %scan3A_17 = %scan3A_12 to %scan3A_14 step %scan3A_15  : i32 {
      %broadcast_in_dim3A = vector.broadcast %scan3A_17 : i32 to vector<16xi32>
      %gather3A = tpu.vector_load_idx %arg10[%broadcast_in_dim3A] : memref<320xf32, #tpu.memory_space<vmem>>[vector<16xi32>], vector<16xf32>,
      %get3A = arith.index_cast %scan3A_17 : i32 to index
      %get3A_18 = arith.constant 0 : index
      %get3A_19 = tpu.vector_load %arg6[%get3A, %get3A_18] {strides = array<i32>} : memref<320x16xf32, #tpu.memory_space<vmem>>, vector<16xf32>,
      %get3A_20 = arith.index_cast %scan3A_17 : i32 to index
      %get3A_21 = arith.constant 0 : index
      %get3A_22 = tpu.vector_load %arg7[%get3A_20, %get3A_21] {strides = array<i32>} : memref<320x16xf32, #tpu.memory_space<vmem>>, vector<16xf32>,
      %add3A_23 = arith.addf %get3A_19, %get3A_22 : vector<16xf32>
      %mul3A_24 = arith.mulf %add3A_23, %gather3A : vector<16xf32>
      %get3A_25 = arith.index_cast %scan3A_17 : i32 to index
      %get3A_26 = arith.constant 0 : index
      %get3A_27 = tpu.vector_load %arg11[%get3A_25, %get3A_26] {strides = array<i32>} : memref<320x16xf32, #tpu.memory_space<vmem>>, vector<16xf32>,
      %add3A_28 = arith.addf %mul3A_24, %get3A_27 : vector<16xf32>
      %swap3A = arith.index_cast %scan3A_17 : i32 to index
      %swap3A_29 = arith.constant 0 : index
      %swap3A_30 = tpu.vector_load %arg12[%swap3A, %swap3A_29] {strides = array<i32>} : memref<320x16xf32, #tpu.memory_space<vmem>>, vector<16xf32>,
      tpu.vector_store %arg12[%swap3A, %swap3A_29], %add3A_28 {strides = array<i32>} : memref<320x16xf32, #tpu.memory_space<vmem>>, vector<16xf32>,
    }
    %scan3A_16 = arith.constant 320 : i32
    "tpu.region"() ({
      %run_scoped3A_17 = tpu.sem_alloc : memref<!tpu.dma_semaphore, #tpu.memory_space<semaphore_mem>>
      %dma_start3A = arith.constant 0 : i32
      %dma_start3A_18 = tpu.memref_slice %arg5[%mul3A_2, %dma_start3A] : memref<10240x16xf32, #tpu.memory_space<hbm>> -> memref<320x16xf32, #tpu.memory_space<hbm>>
      %dma_start3A_19 = arith.constant 0 : i32
      %dma_start3A_20 = tpu.memref_slice %arg5[%mul3A_2, %dma_start3A_19] : memref<10240x16xf32, #tpu.memory_space<hbm>> -> memref<320x16xf32, #tpu.memory_space<hbm>>
      tpu.enqueue_dma source(%arg12 : memref<320x16xf32, #tpu.memory_space<vmem>>) target(%dma_start3A_20 : memref<320x16xf32, #tpu.memory_space<hbm>>) target_semaphore(%run_scoped3A_17 : memref<!tpu.dma_semaphore, #tpu.memory_space<semaphore_mem>>)
      %dma_wait3A = arith.constant 0 : i32
      %dma_wait3A_21 = tpu.memref_slice %arg5[%mul3A_2, %dma_wait3A] : memref<10240x16xf32, #tpu.memory_space<hbm>> -> memref<320x16xf32, #tpu.memory_space<hbm>>
      %dma_wait3A_22 = arith.constant 0 : i32
      %dma_wait3A_23 = tpu.memref_slice %arg5[%mul3A_2, %dma_wait3A_22] : memref<10240x16xf32, #tpu.memory_space<hbm>> -> memref<320x16xf32, #tpu.memory_space<hbm>>
      tpu.wait_dma2 semaphore(%run_scoped3A_17 : memref<!tpu.dma_semaphore, #tpu.memory_space<semaphore_mem>>) src(%arg12 : memref<320x16xf32, #tpu.memory_space<vmem>>) dst(%dma_wait3A_23 : memref<320x16xf32, #tpu.memory_space<hbm>>)
      tpu.yield
    }) : () -> ()
    return
  }
}

#map = affine_map<(d0, d1) -> (0, 0)>
#map1 = affine_map<(d0, d1) -> (0, 0, 0)>
module attributes {stable_mosaic.version = 14 : i64} {
  func.func @scatter_kernel(%arg0: i32, %arg1: i32, %arg2: memref<1280x125xi32, #tpu.memory_space<hbm>>, %arg3: memref<160000x16xf32, #tpu.memory_space<hbm>>, %arg4: memref<2x10240x16xf32, #tpu.memory_space<hbm>>, %arg5: memref<2x10240xf32, #tpu.memory_space<hbm>>, %arg6: memref<40x125xi32, #tpu.memory_space<vmem>>, %arg7: memref<5000x16xf32, #tpu.memory_space<vmem>>, %arg8: memref<640x16xf32, #tpu.memory_space<vmem>>, %arg9: memref<640xf32, #tpu.memory_space<vmem>>, %arg10: memref<128xf32, #tpu.memory_space<vmem>>, %arg11: memref<10240x16xf32, #tpu.memory_space<vmem_shared>>, %arg12: memref<10240xf32, #tpu.memory_space<vmem_shared>>) attributes {dimension_semantics = [#tpu.dimension_semantics<core_parallel>, #tpu.dimension_semantics<subcore_parallel>], iteration_bounds = array<i64: 2, 16>, scalar_prefetch = 0 : i64, scratch_operands = 7 : i64, tpu.core_type = #tpu.core_type<sc_vector_subcore>, window_params = [{transform_indices = #map}, {transform_indices = #map}, {transform_indices = #map1}, {transform_indices = #map}]} {
    %mul3A = arith.constant 2 : i32
    %mul3A_0 = arith.muli %arg1, %mul3A : i32
    %add3A = arith.addi %mul3A_0, %arg0 : i32
    %broadcast_in_dim3A = arith.constant 0.000000e+00 : f32
    %broadcast_in_dim3A_1 = vector.broadcast %broadcast_in_dim3A : f32 to vector<16xf32>
    %broadcast_in_dim3A_2 = arith.constant 1.000000e+00 : f32
    %broadcast_in_dim3A_3 = vector.broadcast %broadcast_in_dim3A_2 : f32 to vector<16xf32>
    %scan3A = arith.constant 0 : i32
    %scan3A_4 = arith.constant 0 : i32
    %scan3A_5 = arith.constant 640 : i32
    %scan3A_6 = arith.addi %scan3A_4, %scan3A_5 : i32
    %scan3A_7 = arith.constant 1 : i32
    scf.for %scan3A_44 = %scan3A_4 to %scan3A_6 step %scan3A_7  : i32 {
      %swap3A = arith.index_cast %scan3A_44 : i32 to index
      %swap3A_45 = arith.constant 0 : index
      %swap3A_46 = tpu.vector_load %arg8[%swap3A, %swap3A_45] {strides = array<i32>} : memref<640x16xf32, #tpu.memory_space<vmem>>, vector<1x16xf32>,
      %swap3A_47 = vector.shape_cast %swap3A_46 : vector<1x16xf32> to vector<16xf32>
      %swap3A_48 = vector.shape_cast %broadcast_in_dim3A_1 : vector<16xf32> to vector<1x16xf32>
      tpu.vector_store %arg8[%swap3A, %swap3A_45], %swap3A_48 {strides = array<i32>} : memref<640x16xf32, #tpu.memory_space<vmem>>, vector<1x16xf32>,
    }
    %scan3A_8 = arith.constant 640 : i32
    %scan3A_9 = arith.constant 0 : i32
    %scan3A_10 = arith.constant 0 : i32
    %scan3A_11 = arith.constant 40 : i32
    %scan3A_12 = arith.addi %scan3A_10, %scan3A_11 : i32
    %scan3A_13 = arith.constant 1 : i32
    scf.for %scan3A_44 = %scan3A_10 to %scan3A_12 step %scan3A_13  : i32 {
      %mul3A_45 = arith.constant 16 : i32
      %mul3A_46 = arith.muli %scan3A_44, %mul3A_45 : i32
      %swap3A = arith.index_cast %mul3A_46 : i32 to index
      %swap3A_47 = tpu.vector_load %arg9[%swap3A] {strides = array<i32>} : memref<640xf32, #tpu.memory_space<vmem>>, vector<16xf32>,
      %swap3A_48 = vector.shape_cast %swap3A_47 : vector<16xf32> to vector<16xf32>
      %swap3A_49 = vector.shape_cast %broadcast_in_dim3A_1 : vector<16xf32> to vector<16xf32>
      tpu.vector_store %arg9[%swap3A], %swap3A_49 {strides = array<i32>} : memref<640xf32, #tpu.memory_space<vmem>>, vector<16xf32>,
    }
    %scan3A_14 = arith.constant 40 : i32
    %scan3A_15 = arith.constant 0 : i32
    %scan3A_16 = arith.constant 0 : i32
    %scan3A_17 = arith.constant 8 : i32
    %scan3A_18 = arith.addi %scan3A_16, %scan3A_17 : i32
    %scan3A_19 = arith.constant 1 : i32
    scf.for %scan3A_44 = %scan3A_16 to %scan3A_18 step %scan3A_19  : i32 {
      %mul3A_45 = arith.constant 16 : i32
      %mul3A_46 = arith.muli %scan3A_44, %mul3A_45 : i32
      %swap3A = arith.index_cast %mul3A_46 : i32 to index
      %swap3A_47 = tpu.vector_load %arg10[%swap3A] {strides = array<i32>} : memref<128xf32, #tpu.memory_space<vmem>>, vector<16xf32>,
      %swap3A_48 = vector.shape_cast %swap3A_47 : vector<16xf32> to vector<16xf32>
      %swap3A_49 = vector.shape_cast %broadcast_in_dim3A_3 : vector<16xf32> to vector<16xf32>
      tpu.vector_store %arg10[%swap3A], %swap3A_49 {strides = array<i32>} : memref<128xf32, #tpu.memory_space<vmem>>, vector<16xf32>,
    }
    %scan3A_20 = arith.constant 8 : i32
    %mul3A_21 = arith.constant 640 : i32
    %mul3A_22 = arith.muli %arg1, %mul3A_21 : i32
    "tpu.region"() ({
      %run_scoped3A = tpu.sem_alloc : memref<!tpu.dma_semaphore, #tpu.memory_space<semaphore_mem>>
      %dma_start3A = arith.constant 0 : i32
      %dma_start3A_44 = tpu.memref_slice %arg11[%mul3A_22, %dma_start3A] : memref<10240x16xf32, #tpu.memory_space<vmem_shared>> -> memref<640x16xf32, #tpu.memory_space<vmem_shared>>
      %dma_start3A_45 = arith.constant 0 : i32
      %dma_start3A_46 = tpu.memref_slice %arg11[%mul3A_22, %dma_start3A_45] : memref<10240x16xf32, #tpu.memory_space<vmem_shared>> -> memref<640x16xf32, #tpu.memory_space<vmem_shared>>
      tpu.enqueue_dma source(%arg8 : memref<640x16xf32, #tpu.memory_space<vmem>>) target(%dma_start3A_46 : memref<640x16xf32, #tpu.memory_space<vmem_shared>>) target_semaphore(%run_scoped3A : memref<!tpu.dma_semaphore, #tpu.memory_space<semaphore_mem>>)
      %dma_wait3A = arith.constant 0 : i32
      %dma_wait3A_47 = tpu.memref_slice %arg11[%mul3A_22, %dma_wait3A] : memref<10240x16xf32, #tpu.memory_space<vmem_shared>> -> memref<640x16xf32, #tpu.memory_space<vmem_shared>>
      %dma_wait3A_48 = arith.constant 0 : i32
      %dma_wait3A_49 = tpu.memref_slice %arg11[%mul3A_22, %dma_wait3A_48] : memref<10240x16xf32, #tpu.memory_space<vmem_shared>> -> memref<640x16xf32, #tpu.memory_space<vmem_shared>>
      tpu.wait_dma2 semaphore(%run_scoped3A : memref<!tpu.dma_semaphore, #tpu.memory_space<semaphore_mem>>) src(%arg8 : memref<640x16xf32, #tpu.memory_space<vmem>>) dst(%dma_wait3A_49 : memref<640x16xf32, #tpu.memory_space<vmem_shared>>)
      tpu.yield
    }) : () -> ()
    %mul3A_23 = arith.constant 640 : i32
    %mul3A_24 = arith.muli %arg1, %mul3A_23 : i32
    "tpu.region"() ({
      %run_scoped3A = tpu.sem_alloc : memref<!tpu.dma_semaphore, #tpu.memory_space<semaphore_mem>>
      %dma_start3A = tpu.memref_slice %arg12[%mul3A_24] : memref<10240xf32, #tpu.memory_space<vmem_shared>> -> memref<640xf32, #tpu.memory_space<vmem_shared>>
      %dma_start3A_44 = tpu.memref_slice %arg12[%mul3A_24] : memref<10240xf32, #tpu.memory_space<vmem_shared>> -> memref<640xf32, #tpu.memory_space<vmem_shared>>
      tpu.enqueue_dma source(%arg9 : memref<640xf32, #tpu.memory_space<vmem>>) target(%dma_start3A_44 : memref<640xf32, #tpu.memory_space<vmem_shared>>) target_semaphore(%run_scoped3A : memref<!tpu.dma_semaphore, #tpu.memory_space<semaphore_mem>>)
      %dma_wait3A = tpu.memref_slice %arg12[%mul3A_24] : memref<10240xf32, #tpu.memory_space<vmem_shared>> -> memref<640xf32, #tpu.memory_space<vmem_shared>>
      %dma_wait3A_45 = tpu.memref_slice %arg12[%mul3A_24] : memref<10240xf32, #tpu.memory_space<vmem_shared>> -> memref<640xf32, #tpu.memory_space<vmem_shared>>
      tpu.wait_dma2 semaphore(%run_scoped3A : memref<!tpu.dma_semaphore, #tpu.memory_space<semaphore_mem>>) src(%arg9 : memref<640xf32, #tpu.memory_space<vmem>>) dst(%dma_wait3A_45 : memref<640xf32, #tpu.memory_space<vmem_shared>>)
      tpu.yield
    }) : () -> ()
    %barrier3A = arith.constant 0 : index
    tpu.barrier barrier_id(%barrier3A)
    %mul3A_25 = arith.constant 40 : i32
    %mul3A_26 = arith.muli %add3A, %mul3A_25 : i32
    "tpu.region"() ({
      %run_scoped3A = tpu.sem_alloc : memref<!tpu.dma_semaphore, #tpu.memory_space<semaphore_mem>>
      %dma_start3A = arith.constant 0 : i32
      %dma_start3A_44 = tpu.memref_slice %arg2[%mul3A_26, %dma_start3A] : memref<1280x125xi32, #tpu.memory_space<hbm>> -> memref<40x125xi32, #tpu.memory_space<hbm>>
      %dma_start3A_45 = arith.constant 0 : i32
      %dma_start3A_46 = tpu.memref_slice %arg2[%mul3A_26, %dma_start3A_45] : memref<1280x125xi32, #tpu.memory_space<hbm>> -> memref<40x125xi32, #tpu.memory_space<hbm>>
      tpu.enqueue_dma source(%dma_start3A_46 : memref<40x125xi32, #tpu.memory_space<hbm>>) target(%arg6 : memref<40x125xi32, #tpu.memory_space<vmem>>) target_semaphore(%run_scoped3A : memref<!tpu.dma_semaphore, #tpu.memory_space<semaphore_mem>>)
      %dma_wait3A = arith.constant 0 : i32
      %dma_wait3A_47 = tpu.memref_slice %arg2[%mul3A_26, %dma_wait3A] : memref<1280x125xi32, #tpu.memory_space<hbm>> -> memref<40x125xi32, #tpu.memory_space<hbm>>
      %dma_wait3A_48 = arith.constant 0 : i32
      %dma_wait3A_49 = tpu.memref_slice %arg2[%mul3A_26, %dma_wait3A_48] : memref<1280x125xi32, #tpu.memory_space<hbm>> -> memref<40x125xi32, #tpu.memory_space<hbm>>
      tpu.wait_dma2 semaphore(%run_scoped3A : memref<!tpu.dma_semaphore, #tpu.memory_space<semaphore_mem>>) src(%dma_wait3A_49 : memref<40x125xi32, #tpu.memory_space<hbm>>) dst(%arg6 : memref<40x125xi32, #tpu.memory_space<vmem>>)
      tpu.yield
    }) : () -> ()
    %mul3A_27 = arith.constant 5000 : i32
    %mul3A_28 = arith.muli %add3A, %mul3A_27 : i32
    "tpu.region"() ({
      %run_scoped3A = tpu.sem_alloc : memref<!tpu.dma_semaphore, #tpu.memory_space<semaphore_mem>>
      %dma_start3A = arith.constant 0 : i32
      %dma_start3A_44 = tpu.memref_slice %arg3[%mul3A_28, %dma_start3A] : memref<160000x16xf32, #tpu.memory_space<hbm>> -> memref<5000x16xf32, #tpu.memory_space<hbm>>
      %dma_start3A_45 = arith.constant 0 : i32
      %dma_start3A_46 = tpu.memref_slice %arg3[%mul3A_28, %dma_start3A_45] : memref<160000x16xf32, #tpu.memory_space<hbm>> -> memref<5000x16xf32, #tpu.memory_space<hbm>>
      tpu.enqueue_dma source(%dma_start3A_46 : memref<5000x16xf32, #tpu.memory_space<hbm>>) target(%arg7 : memref<5000x16xf32, #tpu.memory_space<vmem>>) target_semaphore(%run_scoped3A : memref<!tpu.dma_semaphore, #tpu.memory_space<semaphore_mem>>)
      %dma_wait3A = arith.constant 0 : i32
      %dma_wait3A_47 = tpu.memref_slice %arg3[%mul3A_28, %dma_wait3A] : memref<160000x16xf32, #tpu.memory_space<hbm>> -> memref<5000x16xf32, #tpu.memory_space<hbm>>
      %dma_wait3A_48 = arith.constant 0 : i32
      %dma_wait3A_49 = tpu.memref_slice %arg3[%mul3A_28, %dma_wait3A_48] : memref<160000x16xf32, #tpu.memory_space<hbm>> -> memref<5000x16xf32, #tpu.memory_space<hbm>>
      tpu.wait_dma2 semaphore(%run_scoped3A : memref<!tpu.dma_semaphore, #tpu.memory_space<semaphore_mem>>) src(%dma_wait3A_49 : memref<5000x16xf32, #tpu.memory_space<hbm>>) dst(%arg7 : memref<5000x16xf32, #tpu.memory_space<vmem>>)
      tpu.yield
    }) : () -> ()
    %scan3A_29 = arith.constant 0 : i32
    %scan3A_30 = arith.constant 0 : i32
    %scan3A_31 = arith.constant 40 : i32
    %scan3A_32 = arith.addi %scan3A_30, %scan3A_31 : i32
    %scan3A_33 = arith.constant 1 : i32
    scf.for %scan3A_44 = %scan3A_30 to %scan3A_32 step %scan3A_33  : i32 {
      %mul3A_45 = arith.constant 125 : i32
      %mul3A_46 = arith.muli %scan3A_44, %mul3A_45 : i32
      "tpu.region"() ({
        %run_scoped3A = tpu.sem_alloc : memref<!tpu.dma_semaphore, #tpu.memory_space<semaphore_mem>>
        %dma_start3A = arith.constant 0 : i32
        %dma_start3A_47 = tpu.memref_slice %arg7[%mul3A_46, %dma_start3A] : memref<5000x16xf32, #tpu.memory_space<vmem>> -> memref<125x16xf32, #tpu.memory_space<vmem>>
        %dma_start3A_48 = arith.constant 0 : i32
        %dma_start3A_49 = tpu.memref_slice %arg6[%scan3A_44, %dma_start3A_48] : memref<40x125xi32, #tpu.memory_space<vmem>> -> memref<1x125xi32, #tpu.memory_space<vmem>>
        %dma_start3A_50 = tpu.memref_squeeze %dma_start3A_49 : memref<1x125xi32, #tpu.memory_space<vmem>> -> memref<125xi32, #tpu.memory_space<vmem>>
        %dma_start3A_51 = arith.constant 0 : i32
        %dma_start3A_52 = arith.constant 0 : i32
        %dma_start3A_53 = tpu.memref_slice %arg11[%dma_start3A_51, %dma_start3A_52] : memref<10240x16xf32, #tpu.memory_space<vmem_shared>> -> memref<10240x16xf32, #tpu.memory_space<vmem_shared>>
        tpu.enqueue_indirect_dma source(%dma_start3A_47 : memref<125x16xf32, #tpu.memory_space<vmem>>) target(%dma_start3A_53 : memref<10240x16xf32, #tpu.memory_space<vmem_shared>>) offsets(%dma_start3A_50 : memref<125xi32, #tpu.memory_space<vmem>>) semaphore(%run_scoped3A : memref<!tpu.dma_semaphore, #tpu.memory_space<semaphore_mem>>) {add = true}
        %dma_wait3A = arith.constant 0 : i32
        %dma_wait3A_54 = tpu.memref_slice %arg7[%mul3A_46, %dma_wait3A] : memref<5000x16xf32, #tpu.memory_space<vmem>> -> memref<125x16xf32, #tpu.memory_space<vmem>>
        %dma_wait3A_55 = arith.constant 0 : i32
        %dma_wait3A_56 = tpu.memref_slice %arg6[%scan3A_44, %dma_wait3A_55] : memref<40x125xi32, #tpu.memory_space<vmem>> -> memref<1x125xi32, #tpu.memory_space<vmem>>
        %dma_wait3A_57 = tpu.memref_squeeze %dma_wait3A_56 : memref<1x125xi32, #tpu.memory_space<vmem>> -> memref<125xi32, #tpu.memory_space<vmem>>
        %dma_wait3A_58 = arith.constant 0 : i32
        %dma_wait3A_59 = arith.constant 0 : i32
        %dma_wait3A_60 = tpu.memref_slice %arg11[%dma_wait3A_58, %dma_wait3A_59] : memref<10240x16xf32, #tpu.memory_space<vmem_shared>> -> memref<10240x16xf32, #tpu.memory_space<vmem_shared>>
        tpu.wait_indirect_dma semaphore(%run_scoped3A : memref<!tpu.dma_semaphore, #tpu.memory_space<semaphore_mem>>) src(%dma_wait3A_54 : memref<125x16xf32, #tpu.memory_space<vmem>>) dst(%dma_wait3A_60 : memref<10240x16xf32, #tpu.memory_space<vmem_shared>>)
        tpu.yield
      }) : () -> ()
      "tpu.region"() ({
        %run_scoped3A = tpu.sem_alloc : memref<!tpu.dma_semaphore, #tpu.memory_space<semaphore_mem>>
        %dma_start3A = arith.constant 0 : i32
        %dma_start3A_47 = tpu.memref_slice %arg10[%dma_start3A] : memref<128xf32, #tpu.memory_space<vmem>> -> memref<125xf32, #tpu.memory_space<vmem>>
        %dma_start3A_48 = arith.constant 0 : i32
        %dma_start3A_49 = tpu.memref_slice %arg6[%scan3A_44, %dma_start3A_48] : memref<40x125xi32, #tpu.memory_space<vmem>> -> memref<1x125xi32, #tpu.memory_space<vmem>>
        %dma_start3A_50 = tpu.memref_squeeze %dma_start3A_49 : memref<1x125xi32, #tpu.memory_space<vmem>> -> memref<125xi32, #tpu.memory_space<vmem>>
        %dma_start3A_51 = arith.constant 0 : i32
        %dma_start3A_52 = tpu.memref_slice %arg12[%dma_start3A_51] : memref<10240xf32, #tpu.memory_space<vmem_shared>> -> memref<10240xf32, #tpu.memory_space<vmem_shared>>
        tpu.enqueue_indirect_dma source(%dma_start3A_47 : memref<125xf32, #tpu.memory_space<vmem>>) target(%dma_start3A_52 : memref<10240xf32, #tpu.memory_space<vmem_shared>>) offsets(%dma_start3A_50 : memref<125xi32, #tpu.memory_space<vmem>>) semaphore(%run_scoped3A : memref<!tpu.dma_semaphore, #tpu.memory_space<semaphore_mem>>) {add = true}
        %dma_wait3A = arith.constant 0 : i32
        %dma_wait3A_53 = tpu.memref_slice %arg10[%dma_wait3A] : memref<128xf32, #tpu.memory_space<vmem>> -> memref<125xf32, #tpu.memory_space<vmem>>
        %dma_wait3A_54 = arith.constant 0 : i32
        %dma_wait3A_55 = tpu.memref_slice %arg6[%scan3A_44, %dma_wait3A_54] : memref<40x125xi32, #tpu.memory_space<vmem>> -> memref<1x125xi32, #tpu.memory_space<vmem>>
        %dma_wait3A_56 = tpu.memref_squeeze %dma_wait3A_55 : memref<1x125xi32, #tpu.memory_space<vmem>> -> memref<125xi32, #tpu.memory_space<vmem>>
        %dma_wait3A_57 = arith.constant 0 : i32
        %dma_wait3A_58 = tpu.memref_slice %arg12[%dma_wait3A_57] : memref<10240xf32, #tpu.memory_space<vmem_shared>> -> memref<10240xf32, #tpu.memory_space<vmem_shared>>
        tpu.wait_indirect_dma semaphore(%run_scoped3A : memref<!tpu.dma_semaphore, #tpu.memory_space<semaphore_mem>>) src(%dma_wait3A_53 : memref<125xf32, #tpu.memory_space<vmem>>) dst(%dma_wait3A_58 : memref<10240xf32, #tpu.memory_space<vmem_shared>>)
        tpu.yield
      }) : () -> ()
    }
    %scan3A_34 = arith.constant 40 : i32
    %barrier3A_35 = arith.constant 0 : index
    tpu.barrier barrier_id(%barrier3A_35)
    %mul3A_36 = arith.constant 640 : i32
    %mul3A_37 = arith.muli %arg1, %mul3A_36 : i32
    %mul3A_38 = arith.constant 640 : i32
    %mul3A_39 = arith.muli %arg1, %mul3A_38 : i32
    "tpu.region"() ({
      %run_scoped3A = tpu.sem_alloc : memref<!tpu.dma_semaphore, #tpu.memory_space<semaphore_mem>>
      %dma_start3A = arith.constant 0 : i32
      %dma_start3A_44 = arith.constant 0 : i32
      %dma_start3A_45 = tpu.memref_slice %arg4[%arg0, %dma_start3A, %dma_start3A_44] : memref<2x10240x16xf32, #tpu.memory_space<hbm>> -> memref<1x10240x16xf32, #tpu.memory_space<hbm>>
      %dma_start3A_46 = tpu.memref_squeeze %dma_start3A_45 : memref<1x10240x16xf32, #tpu.memory_space<hbm>> -> memref<10240x16xf32, #tpu.memory_space<hbm>>
      %dma_start3A_47 = arith.constant 0 : i32
      %dma_start3A_48 = tpu.memref_slice %dma_start3A_46[%mul3A_39, %dma_start3A_47] : memref<10240x16xf32, #tpu.memory_space<hbm>> -> memref<640x16xf32, #tpu.memory_space<hbm>>
      %dma_start3A_49 = arith.constant 0 : i32
      %dma_start3A_50 = tpu.memref_slice %arg11[%mul3A_37, %dma_start3A_49] : memref<10240x16xf32, #tpu.memory_space<vmem_shared>> -> memref<640x16xf32, #tpu.memory_space<vmem_shared>>
      tpu.enqueue_dma source(%dma_start3A_50 : memref<640x16xf32, #tpu.memory_space<vmem_shared>>) target(%dma_start3A_48 : memref<640x16xf32, #tpu.memory_space<hbm>>) target_semaphore(%run_scoped3A : memref<!tpu.dma_semaphore, #tpu.memory_space<semaphore_mem>>)
      %dma_wait3A = arith.constant 0 : i32
      %dma_wait3A_51 = arith.constant 0 : i32
      %dma_wait3A_52 = tpu.memref_slice %arg4[%arg0, %dma_wait3A, %dma_wait3A_51] : memref<2x10240x16xf32, #tpu.memory_space<hbm>> -> memref<1x10240x16xf32, #tpu.memory_space<hbm>>
      %dma_wait3A_53 = tpu.memref_squeeze %dma_wait3A_52 : memref<1x10240x16xf32, #tpu.memory_space<hbm>> -> memref<10240x16xf32, #tpu.memory_space<hbm>>
      %dma_wait3A_54 = arith.constant 0 : i32
      %dma_wait3A_55 = tpu.memref_slice %dma_wait3A_53[%mul3A_39, %dma_wait3A_54] : memref<10240x16xf32, #tpu.memory_space<hbm>> -> memref<640x16xf32, #tpu.memory_space<hbm>>
      %dma_wait3A_56 = arith.constant 0 : i32
      %dma_wait3A_57 = tpu.memref_slice %arg11[%mul3A_37, %dma_wait3A_56] : memref<10240x16xf32, #tpu.memory_space<vmem_shared>> -> memref<640x16xf32, #tpu.memory_space<vmem_shared>>
      tpu.wait_dma2 semaphore(%run_scoped3A : memref<!tpu.dma_semaphore, #tpu.memory_space<semaphore_mem>>) src(%dma_wait3A_57 : memref<640x16xf32, #tpu.memory_space<vmem_shared>>) dst(%dma_wait3A_55 : memref<640x16xf32, #tpu.memory_space<hbm>>)
      tpu.yield
    }) : () -> ()
    %mul3A_40 = arith.constant 640 : i32
    %mul3A_41 = arith.muli %arg1, %mul3A_40 : i32
    %mul3A_42 = arith.constant 640 : i32
    %mul3A_43 = arith.muli %arg1, %mul3A_42 : i32
    "tpu.region"() ({
      %run_scoped3A = tpu.sem_alloc : memref<!tpu.dma_semaphore, #tpu.memory_space<semaphore_mem>>
      %dma_start3A = arith.constant 0 : i32
      %dma_start3A_44 = tpu.memref_slice %arg5[%arg0, %dma_start3A] : memref<2x10240xf32, #tpu.memory_space<hbm>> -> memref<1x10240xf32, #tpu.memory_space<hbm>>
      %dma_start3A_45 = tpu.memref_squeeze %dma_start3A_44 : memref<1x10240xf32, #tpu.memory_space<hbm>> -> memref<10240xf32, #tpu.memory_space<hbm>>
      %dma_start3A_46 = tpu.memref_slice %dma_start3A_45[%mul3A_43] : memref<10240xf32, #tpu.memory_space<hbm>> -> memref<640xf32, #tpu.memory_space<hbm>>
      %dma_start3A_47 = tpu.memref_slice %arg12[%mul3A_41] : memref<10240xf32, #tpu.memory_space<vmem_shared>> -> memref<640xf32, #tpu.memory_space<vmem_shared>>
      tpu.enqueue_dma source(%dma_start3A_47 : memref<640xf32, #tpu.memory_space<vmem_shared>>) target(%dma_start3A_46 : memref<640xf32, #tpu.memory_space<hbm>>) target_semaphore(%run_scoped3A : memref<!tpu.dma_semaphore, #tpu.memory_space<semaphore_mem>>)
      %dma_wait3A = arith.constant 0 : i32
      %dma_wait3A_48 = tpu.memref_slice %arg5[%arg0, %dma_wait3A] : memref<2x10240xf32, #tpu.memory_space<hbm>> -> memref<1x10240xf32, #tpu.memory_space<hbm>>
      %dma_wait3A_49 = tpu.memref_squeeze %dma_wait3A_48 : memref<1x10240xf32, #tpu.memory_space<hbm>> -> memref<10240xf32, #tpu.memory_space<hbm>>
      %dma_wait3A_50 = tpu.memref_slice %dma_wait3A_49[%mul3A_43] : memref<10240xf32, #tpu.memory_space<hbm>> -> memref<640xf32, #tpu.memory_space<hbm>>
      %dma_wait3A_51 = tpu.memref_slice %arg12[%mul3A_41] : memref<10240xf32, #tpu.memory_space<vmem_shared>> -> memref<640xf32, #tpu.memory_space<vmem_shared>>
      tpu.wait_dma2 semaphore(%run_scoped3A : memref<!tpu.dma_semaphore, #tpu.memory_space<semaphore_mem>>) src(%dma_wait3A_51 : memref<640xf32, #tpu.memory_space<vmem_shared>>) dst(%dma_wait3A_50 : memref<640xf32, #tpu.memory_space<hbm>>)
      tpu.yield
    }) : () -> ()
    return
  }
}

module attributes {stable_mosaic.version = 14 : i64} {
  func.func @_tp_body(%arg0: i32, %arg1: memref<16x3200xf32, #tpu.memory_space<vmem>>, %arg2: memref<16x3200xf32, #tpu.memory_space<vmem>>, %arg3: memref<1x3200xf32, #tpu.memory_space<vmem>>, %arg4: memref<16x16xf32, #tpu.memory_space<vmem>>, %arg5: memref<16x1xf32, #tpu.memory_space<vmem>>, %arg6: memref<256x16xbf16, #tpu.memory_space<vmem>>, %arg7: memref<256x1xf32, #tpu.memory_space<vmem>>, %arg8: memref<16x3200xf32, #tpu.memory_space<vmem>>) attributes {dimension_semantics = [#tpu.dimension_semantics<arbitrary>], iteration_bounds = array<i64: 50>, scalar_prefetch = 0 : i64, scratch_operands = 0 : i64, tpu.core_type = #tpu.core_type<tc>, window_params = [{transform_indices = @transform_0, window_bounds = array<i64: 16, 3200>}, {transform_indices = @transform_1, window_bounds = array<i64: 16, 3200>}, {transform_indices = @transform_2, window_bounds = array<i64: 1, 3200>}, {pipeline_mode = #tpu.pipeline_mode<synchronous>, transform_indices = @transform_3, window_bounds = array<i64: 16, 16>}, {pipeline_mode = #tpu.pipeline_mode<synchronous>, transform_indices = @transform_4, window_bounds = array<i64: 16, 1>}, {pipeline_mode = #tpu.pipeline_mode<synchronous>, transform_indices = @transform_5, window_bounds = array<i64: 256, 16>}, {pipeline_mode = #tpu.pipeline_mode<synchronous>, transform_indices = @transform_6, window_bounds = array<i64: 256, 1>}, {transform_indices = @transform_7, window_bounds = array<i64: 16, 3200>}]} {
    %get3A = arith.constant 0 : index
    %get3A_0 = arith.constant 0 : index
    %get3A_1 = vector.load %arg1[%get3A, %get3A_0] : memref<16x3200xf32, #tpu.memory_space<vmem>>, vector<16x3200xf32>
    %get3A_2 = arith.constant 0 : index
    %get3A_3 = arith.constant 0 : index
    %get3A_4 = vector.load %arg2[%get3A_2, %get3A_3] : memref<16x3200xf32, #tpu.memory_space<vmem>>, vector<16x3200xf32>
    %get3A_5 = arith.constant 0 : index
    %get3A_6 = arith.constant 0 : index
    %get3A_7 = vector.load %arg3[%get3A_5, %get3A_6] : memref<1x3200xf32, #tpu.memory_space<vmem>>, vector<1x3200xf32>
    %mul3A = vector.broadcast %get3A_7 : vector<1x3200xf32> to vector<16x3200xf32>
    %mul3A_8 = arith.mulf %get3A_4, %mul3A : vector<16x3200xf32>
    %mul3A_9 = arith.constant 2.500000e-01 : f32
    %mul3A_10 = vector.broadcast %mul3A_9 : f32 to vector<16x3200xf32>
    %mul3A_11 = arith.mulf %mul3A_8, %mul3A_10 : vector<16x3200xf32>
    %get3A_12 = arith.constant 0 : index
    %get3A_13 = arith.constant 0 : index
    %get3A_14 = vector.load %arg4[%get3A_12, %get3A_13] : memref<16x16xf32, #tpu.memory_space<vmem>>, vector<16x16xf32>
    %dot_general3A = arith.constant dense<0.000000e+00> : vector<16x3200xf32>
    %dot_general3A_15 = tpu.matmul %get3A_14, %get3A_1, %dot_general3A {dimension_numbers = #tpu.dot_dimension_numbers<[1], [0], [0], [1], [0, 0, 1, 1], [], []>, transpose_lhs_hint = false} : vector<16x16xf32>, vector<16x3200xf32>, vector<16x3200xf32> -> vector<16x3200xf32>
    %get3A_16 = arith.constant 0 : index
    %get3A_17 = arith.constant 0 : index
    %get3A_18 = vector.load %arg5[%get3A_16, %get3A_17] : memref<16x1xf32, #tpu.memory_space<vmem>>, vector<16x1xf32>
    %add3A = vector.broadcast %get3A_18 : vector<16x1xf32> to vector<16x3200xf32>
    %add3A_19 = arith.addf %dot_general3A_15, %add3A : vector<16x3200xf32>
    %max3A = arith.constant 0.000000e+00 : f32
    %max3A_20 = vector.broadcast %max3A : f32 to vector<16x3200xf32>
    %max3A_21 = arith.maximumf %add3A_19, %max3A_20 : vector<16x3200xf32>
    %get3A_22 = arith.constant 0 : index
    %get3A_23 = arith.constant 0 : index
    %get3A_24 = vector.load %arg6[%get3A_22, %get3A_23] : memref<256x16xbf16, #tpu.memory_space<vmem>>, vector<256x16xbf16>
    %convert_element_type3A = arith.truncf %max3A_21 : vector<16x3200xf32> to vector<16x3200xbf16>
    %dot_general3A_25 = arith.constant dense<0.000000e+00> : vector<256x3200xf32>
    %dot_general3A_26 = tpu.matmul %get3A_24, %convert_element_type3A, %dot_general3A_25 {dimension_numbers = #tpu.dot_dimension_numbers<[1], [0], [0], [1], [0, 0, 1, 1], [], []>, transpose_lhs_hint = false} : vector<256x16xbf16>, vector<16x3200xbf16>, vector<256x3200xf32> -> vector<256x3200xf32>
    %get3A_27 = arith.constant 0 : index
    %get3A_28 = arith.constant 0 : index
    %get3A_29 = vector.load %arg7[%get3A_27, %get3A_28] : memref<256x1xf32, #tpu.memory_space<vmem>>, vector<256x1xf32>
    %add3A_30 = vector.broadcast %get3A_29 : vector<256x1xf32> to vector<256x3200xf32>
    %add3A_31 = arith.addf %dot_general3A_26, %add3A_30 : vector<256x3200xf32>
    %slice3A = vector.extract_strided_slice %mul3A_11 {offsets = [0, 0], sizes = [1, 3200], strides = [1, 1]} : vector<16x3200xf32> to vector<1x3200xf32>
    %slice3A_32 = vector.extract_strided_slice %add3A_31 {offsets = [0, 0], sizes = [16, 3200], strides = [1, 1]} : vector<256x3200xf32> to vector<16x3200xf32>
    %mul3A_33 = vector.broadcast %slice3A : vector<1x3200xf32> to vector<16x3200xf32>
    %mul3A_34 = arith.mulf %mul3A_33, %slice3A_32 : vector<16x3200xf32>
    %slice3A_35 = vector.extract_strided_slice %mul3A_11 {offsets = [1, 0], sizes = [1, 3200], strides = [1, 1]} : vector<16x3200xf32> to vector<1x3200xf32>
    %slice3A_36 = vector.extract_strided_slice %add3A_31 {offsets = [16, 0], sizes = [16, 3200], strides = [1, 1]} : vector<256x3200xf32> to vector<16x3200xf32>
    %mul3A_37 = vector.broadcast %slice3A_35 : vector<1x3200xf32> to vector<16x3200xf32>
    %mul3A_38 = arith.mulf %mul3A_37, %slice3A_36 : vector<16x3200xf32>
    %add3A_39 = arith.addf %mul3A_34, %mul3A_38 : vector<16x3200xf32>
    %slice3A_40 = vector.extract_strided_slice %mul3A_11 {offsets = [2, 0], sizes = [1, 3200], strides = [1, 1]} : vector<16x3200xf32> to vector<1x3200xf32>
    %slice3A_41 = vector.extract_strided_slice %add3A_31 {offsets = [32, 0], sizes = [16, 3200], strides = [1, 1]} : vector<256x3200xf32> to vector<16x3200xf32>
    %mul3A_42 = vector.broadcast %slice3A_40 : vector<1x3200xf32> to vector<16x3200xf32>
    %mul3A_43 = arith.mulf %mul3A_42, %slice3A_41 : vector<16x3200xf32>
    %add3A_44 = arith.addf %add3A_39, %mul3A_43 : vector<16x3200xf32>
    %slice3A_45 = vector.extract_strided_slice %mul3A_11 {offsets = [3, 0], sizes = [1, 3200], strides = [1, 1]} : vector<16x3200xf32> to vector<1x3200xf32>
    %slice3A_46 = vector.extract_strided_slice %add3A_31 {offsets = [48, 0], sizes = [16, 3200], strides = [1, 1]} : vector<256x3200xf32> to vector<16x3200xf32>
    %mul3A_47 = vector.broadcast %slice3A_45 : vector<1x3200xf32> to vector<16x3200xf32>
    %mul3A_48 = arith.mulf %mul3A_47, %slice3A_46 : vector<16x3200xf32>
    %add3A_49 = arith.addf %add3A_44, %mul3A_48 : vector<16x3200xf32>
    %slice3A_50 = vector.extract_strided_slice %mul3A_11 {offsets = [4, 0], sizes = [1, 3200], strides = [1, 1]} : vector<16x3200xf32> to vector<1x3200xf32>
    %slice3A_51 = vector.extract_strided_slice %add3A_31 {offsets = [64, 0], sizes = [16, 3200], strides = [1, 1]} : vector<256x3200xf32> to vector<16x3200xf32>
    %mul3A_52 = vector.broadcast %slice3A_50 : vector<1x3200xf32> to vector<16x3200xf32>
    %mul3A_53 = arith.mulf %mul3A_52, %slice3A_51 : vector<16x3200xf32>
    %add3A_54 = arith.addf %add3A_49, %mul3A_53 : vector<16x3200xf32>
    %slice3A_55 = vector.extract_strided_slice %mul3A_11 {offsets = [5, 0], sizes = [1, 3200], strides = [1, 1]} : vector<16x3200xf32> to vector<1x3200xf32>
    %slice3A_56 = vector.extract_strided_slice %add3A_31 {offsets = [80, 0], sizes = [16, 3200], strides = [1, 1]} : vector<256x3200xf32> to vector<16x3200xf32>
    %mul3A_57 = vector.broadcast %slice3A_55 : vector<1x3200xf32> to vector<16x3200xf32>
    %mul3A_58 = arith.mulf %mul3A_57, %slice3A_56 : vector<16x3200xf32>
    %add3A_59 = arith.addf %add3A_54, %mul3A_58 : vector<16x3200xf32>
    %slice3A_60 = vector.extract_strided_slice %mul3A_11 {offsets = [6, 0], sizes = [1, 3200], strides = [1, 1]} : vector<16x3200xf32> to vector<1x3200xf32>
    %slice3A_61 = vector.extract_strided_slice %add3A_31 {offsets = [96, 0], sizes = [16, 3200], strides = [1, 1]} : vector<256x3200xf32> to vector<16x3200xf32>
    %mul3A_62 = vector.broadcast %slice3A_60 : vector<1x3200xf32> to vector<16x3200xf32>
    %mul3A_63 = arith.mulf %mul3A_62, %slice3A_61 : vector<16x3200xf32>
    %add3A_64 = arith.addf %add3A_59, %mul3A_63 : vector<16x3200xf32>
    %slice3A_65 = vector.extract_strided_slice %mul3A_11 {offsets = [7, 0], sizes = [1, 3200], strides = [1, 1]} : vector<16x3200xf32> to vector<1x3200xf32>
    %slice3A_66 = vector.extract_strided_slice %add3A_31 {offsets = [112, 0], sizes = [16, 3200], strides = [1, 1]} : vector<256x3200xf32> to vector<16x3200xf32>
    %mul3A_67 = vector.broadcast %slice3A_65 : vector<1x3200xf32> to vector<16x3200xf32>
    %mul3A_68 = arith.mulf %mul3A_67, %slice3A_66 : vector<16x3200xf32>
    %add3A_69 = arith.addf %add3A_64, %mul3A_68 : vector<16x3200xf32>
    %slice3A_70 = vector.extract_strided_slice %mul3A_11 {offsets = [8, 0], sizes = [1, 3200], strides = [1, 1]} : vector<16x3200xf32> to vector<1x3200xf32>
    %slice3A_71 = vector.extract_strided_slice %add3A_31 {offsets = [128, 0], sizes = [16, 3200], strides = [1, 1]} : vector<256x3200xf32> to vector<16x3200xf32>
    %mul3A_72 = vector.broadcast %slice3A_70 : vector<1x3200xf32> to vector<16x3200xf32>
    %mul3A_73 = arith.mulf %mul3A_72, %slice3A_71 : vector<16x3200xf32>
    %add3A_74 = arith.addf %add3A_69, %mul3A_73 : vector<16x3200xf32>
    %slice3A_75 = vector.extract_strided_slice %mul3A_11 {offsets = [9, 0], sizes = [1, 3200], strides = [1, 1]} : vector<16x3200xf32> to vector<1x3200xf32>
    %slice3A_76 = vector.extract_strided_slice %add3A_31 {offsets = [144, 0], sizes = [16, 3200], strides = [1, 1]} : vector<256x3200xf32> to vector<16x3200xf32>
    %mul3A_77 = vector.broadcast %slice3A_75 : vector<1x3200xf32> to vector<16x3200xf32>
    %mul3A_78 = arith.mulf %mul3A_77, %slice3A_76 : vector<16x3200xf32>
    %add3A_79 = arith.addf %add3A_74, %mul3A_78 : vector<16x3200xf32>
    %slice3A_80 = vector.extract_strided_slice %mul3A_11 {offsets = [10, 0], sizes = [1, 3200], strides = [1, 1]} : vector<16x3200xf32> to vector<1x3200xf32>
    %slice3A_81 = vector.extract_strided_slice %add3A_31 {offsets = [160, 0], sizes = [16, 3200], strides = [1, 1]} : vector<256x3200xf32> to vector<16x3200xf32>
    %mul3A_82 = vector.broadcast %slice3A_80 : vector<1x3200xf32> to vector<16x3200xf32>
    %mul3A_83 = arith.mulf %mul3A_82, %slice3A_81 : vector<16x3200xf32>
    %add3A_84 = arith.addf %add3A_79, %mul3A_83 : vector<16x3200xf32>
    %slice3A_85 = vector.extract_strided_slice %mul3A_11 {offsets = [11, 0], sizes = [1, 3200], strides = [1, 1]} : vector<16x3200xf32> to vector<1x3200xf32>
    %slice3A_86 = vector.extract_strided_slice %add3A_31 {offsets = [176, 0], sizes = [16, 3200], strides = [1, 1]} : vector<256x3200xf32> to vector<16x3200xf32>
    %mul3A_87 = vector.broadcast %slice3A_85 : vector<1x3200xf32> to vector<16x3200xf32>
    %mul3A_88 = arith.mulf %mul3A_87, %slice3A_86 : vector<16x3200xf32>
    %add3A_89 = arith.addf %add3A_84, %mul3A_88 : vector<16x3200xf32>
    %slice3A_90 = vector.extract_strided_slice %mul3A_11 {offsets = [12, 0], sizes = [1, 3200], strides = [1, 1]} : vector<16x3200xf32> to vector<1x3200xf32>
    %slice3A_91 = vector.extract_strided_slice %add3A_31 {offsets = [192, 0], sizes = [16, 3200], strides = [1, 1]} : vector<256x3200xf32> to vector<16x3200xf32>
    %mul3A_92 = vector.broadcast %slice3A_90 : vector<1x3200xf32> to vector<16x3200xf32>
    %mul3A_93 = arith.mulf %mul3A_92, %slice3A_91 : vector<16x3200xf32>
    %add3A_94 = arith.addf %add3A_89, %mul3A_93 : vector<16x3200xf32>
    %slice3A_95 = vector.extract_strided_slice %mul3A_11 {offsets = [13, 0], sizes = [1, 3200], strides = [1, 1]} : vector<16x3200xf32> to vector<1x3200xf32>
    %slice3A_96 = vector.extract_strided_slice %add3A_31 {offsets = [208, 0], sizes = [16, 3200], strides = [1, 1]} : vector<256x3200xf32> to vector<16x3200xf32>
    %mul3A_97 = vector.broadcast %slice3A_95 : vector<1x3200xf32> to vector<16x3200xf32>
    %mul3A_98 = arith.mulf %mul3A_97, %slice3A_96 : vector<16x3200xf32>
    %add3A_99 = arith.addf %add3A_94, %mul3A_98 : vector<16x3200xf32>
    %slice3A_100 = vector.extract_strided_slice %mul3A_11 {offsets = [14, 0], sizes = [1, 3200], strides = [1, 1]} : vector<16x3200xf32> to vector<1x3200xf32>
    %slice3A_101 = vector.extract_strided_slice %add3A_31 {offsets = [224, 0], sizes = [16, 3200], strides = [1, 1]} : vector<256x3200xf32> to vector<16x3200xf32>
    %mul3A_102 = vector.broadcast %slice3A_100 : vector<1x3200xf32> to vector<16x3200xf32>
    %mul3A_103 = arith.mulf %mul3A_102, %slice3A_101 : vector<16x3200xf32>
    %add3A_104 = arith.addf %add3A_99, %mul3A_103 : vector<16x3200xf32>
    %slice3A_105 = vector.extract_strided_slice %mul3A_11 {offsets = [15, 0], sizes = [1, 3200], strides = [1, 1]} : vector<16x3200xf32> to vector<1x3200xf32>
    %slice3A_106 = vector.extract_strided_slice %add3A_31 {offsets = [240, 0], sizes = [16, 3200], strides = [1, 1]} : vector<256x3200xf32> to vector<16x3200xf32>
    %mul3A_107 = vector.broadcast %slice3A_105 : vector<1x3200xf32> to vector<16x3200xf32>
    %mul3A_108 = arith.mulf %mul3A_107, %slice3A_106 : vector<16x3200xf32>
    %add3A_109 = arith.addf %add3A_104, %mul3A_108 : vector<16x3200xf32>
    %swap3A = arith.constant 0 : index
    %swap3A_110 = arith.constant 0 : index
    %swap3A_111 = vector.load %arg8[%swap3A, %swap3A_110] : memref<16x3200xf32, #tpu.memory_space<vmem>>, vector<16x3200xf32>
    tpu.vector_store %arg8[%swap3A, %swap3A_110], %add3A_109 {strides = array<i32>} : memref<16x3200xf32, #tpu.memory_space<vmem>>, vector<16x3200xf32>,
    return
  }
  func.func @transform_0(%arg0: i32) -> (i32, i32) {
    %c0_i32 = arith.constant 0 : i32
    %c0_i32_0 = arith.constant 0 : i32
    return %c0_i32, %arg0 : i32, i32
  }
  func.func @transform_1(%arg0: i32) -> (i32, i32) {
    %c0_i32 = arith.constant 0 : i32
    %c0_i32_0 = arith.constant 0 : i32
    return %c0_i32, %arg0 : i32, i32
  }
  func.func @transform_2(%arg0: i32) -> (i32, i32) {
    %c0_i32 = arith.constant 0 : i32
    %c0_i32_0 = arith.constant 0 : i32
    return %c0_i32, %arg0 : i32, i32
  }
  func.func @transform_3(%arg0: i32) -> (i32, i32) {
    %c0_i32 = arith.constant 0 : i32
    %c0_i32_0 = arith.constant 0 : i32
    %c0_i32_1 = arith.constant 0 : i32
    return %c0_i32, %c0_i32_0 : i32, i32
  }
  func.func @transform_4(%arg0: i32) -> (i32, i32) {
    %c0_i32 = arith.constant 0 : i32
    %c0_i32_0 = arith.constant 0 : i32
    %c0_i32_1 = arith.constant 0 : i32
    return %c0_i32, %c0_i32_0 : i32, i32
  }
  func.func @transform_5(%arg0: i32) -> (i32, i32) {
    %c0_i32 = arith.constant 0 : i32
    %c0_i32_0 = arith.constant 0 : i32
    %c0_i32_1 = arith.constant 0 : i32
    return %c0_i32, %c0_i32_0 : i32, i32
  }
  func.func @transform_6(%arg0: i32) -> (i32, i32) {
    %c0_i32 = arith.constant 0 : i32
    %c0_i32_0 = arith.constant 0 : i32
    %c0_i32_1 = arith.constant 0 : i32
    return %c0_i32, %c0_i32_0 : i32, i32
  }
  func.func @transform_7(%arg0: i32) -> (i32, i32) {
    %c0_i32 = arith.constant 0 : i32
    %c0_i32_0 = arith.constant 0 : i32
    return %c0_i32, %arg0 : i32, i32
  }
}

</mosaic_0001>

<sc_bundles>
// kernel: kernel.12.cloned.1.call-start
scs
__scs_entry_jumppad:
0x0: {  	(pc) =	sbr.rel $0x88, $3  }
0x1: {  	(tag) =	ssettag $0x0;
	lr =	simm.s32 $0x1  }
0x2: {  	[smem:$0x3F99] =	sst lr;
	_ =	strace $0xD0000000  }
0x3: {  	_ = 	snop  }
0x4: {  	_ = 	snop  }
0x5: {  	_ = 	snop  }
0x6: {  	_ = 	snop  }
0x7: {  	_ = 	snop  }
__scs_overlays_trampoline_lowered:
0x8: {  	[smem:$0x3FA8] =	sst s0  }
0x9: {  	[smem:$0x3FA9] =	sst s1  }
0xa: {  	[smem:$0x3FAA] =	sst s2  }
0xb: {  	[smem:$0x3FAB] =	sst s3  }
0xc: {  	[smem:$0x3FAC] =	sst s4  }
0xd: {  	[smem:$0x3FAD] =	sst s5  }
0xe: {  	[smem:$0x3FAE] =	sst s6  }
0xf: {  	[smem:$0x3FAF] =	sst s7  }
0x10: {  	[smem:$0x3FB0] =	sst s8  }
0x11: {  	[smem:$0x3FB1] =	sst s9;
	s0 =	simm.s32 @!p0 $0x0  }
0x12: {  	s1 =	sld [smem:$0x3F97];
	s0 =	simm.s32 @p0 $0x1  }
0x13: {  	[smem:$0x3FB2] =	sst s0;
	s0 =	simm.s32 @!p1 $0x0  }
0x14: {  	s2 =	sld [smem:$0x3F96];
	s0 =	simm.s32 @p1 $0x1  }
0x15: {  	[smem:$0x3FB3] =	sst s0;
	s0 =	simm.s32 @!p2 $0x0  }
0x16: {  	s3 =	sld [smem:$0x3FDB];
	s0 =	simm.s32 @p2 $0x1  }
0x17: {  	s4 =	simm.s32 $0x1BF5;
	[smem:$0x3FB5] =	sst s0  }
0x18: {  	s0 =	sld [smem:$0x3F98];
	_ =	swait.ge [sflag:s4], $0x0  }
0x19: {  	s7 =	sld [smem:$0x3F99]  }
0x1a: {  	s8 =	sadd.s32 $0xFFFFE003, lr  }
0x1b: {  	s9 =	sadd.s32 $0xFFFFFEF7, lr;
	s5 =	simm.s32 $0xFFFFFFFF;
	p2 =	slt.u32 s8, $0xFFFFF086  }
0x1c: {  	p1 =	slt.u32 s9, $0xF7A;
	s5 =	simm.s32 @!p2 $0x0  }
0x1d: {  	s5 =	simm.s32 @p1 $0x1;
	p0 =	seq.s32 s7, s2  }
0x1e: {  	s7 =	smul.u32 @!p0 $0xF7A, s2;
	p2 =	seq.s32 @!p0 s5, $0x0  }
0x1f: {  	s9 =	smul.u32 $0xF7A, s1;
	s8 =	simm.s32 @!p0 $0x1BF5;
	p2 =	por !p2, p0  }
0x20: {  	[sflag:s8] =	ssyncset.s32 @!p0 $0xFFFFF086;
	s6 =	sadd.s32 @!p0 s3, s7;
	s7 =	simm.s32 @!p0 $0x108  }
0x21: {  	s3 =	sadd.s32 s3, s9;
	s6 =	sadd.s32 @!p0 $0x88, s6;
	s7 =	simm.s32 @p2 $0x1082  }
0x22: {  	[simem:s7], [sflag:s8] =	dma.local @!p0 [hbm:s6], $0xF7A  }
0x23: {  	s9 =	sor.u32 $0xD0000000, s2;
	s6 =	simm.s32 $0x108;
	_ =	swait.ge @!p0 [sflag:s8], $0x0  }
0x24: {  	s3 =	sadd.s32 $0x88, s3;
	s6 =	simm.s32 @!p1 $0x1082;
	[sflag:s4] =	ssyncset.s32 $0xFFFFF086  }
0x25: {  	[simem:s6], [sflag:s4] =	dma.local [hbm:s3], $0xF7A  }
0x26: {  	[smem:$0x3F99] =	sst s1;
	(tag) =	ssettag s2;
	_ =	strace s9  }
0x27: {  	s1 =	sld [smem:$0x3FA9]  }
0x28: {  	s2 =	sld [smem:$0x3FAA]  }
0x29: {  	s4 =	sld [smem:$0x3FAC]  }
0x2a: {  	p0 =	seq.s32 s5, $0x0;
	s5 =	sld [smem:$0x3FAD]  }
0x2b: {  	s6 =	sld [smem:$0x3FAE]  }
0x2c: {  	s7 =	sld [smem:$0x3FAF]  }
0x2d: {  	s3 =	simm.s32 $0x108;
	s8 =	sld [smem:$0x3FB0]  }
0x2e: {  	s3 =	simm.s32 @!p0 $0x1082;
	s9 =	sld [smem:$0x3FB1]  }
0x2f: {  	lr =	sadd.s32 s0, s3;
	s0 =	sld [smem:$0x3FA8]  }
0x30: {  	s3 =	sld [smem:$0x3FAB]  }
0x31: {  	[smem:$0x3FB4] =	sst s10  }
0x32: {  	s10 =	sld [smem:$0x3FB2];
	_ =	sdelay $0x3  }
0x33: {  	p0 =	seq.s32 s10, $0x1;
	s10 =	sld [smem:$0x3FB4];
	_ =	sdelay $0x3  }
0x34: {  	[smem:$0x3FB4] =	sst s10  }
0x35: {  	s10 =	sld [smem:$0x3FB3];
	_ =	sdelay $0x3  }
0x36: {  	p1 =	seq.s32 s10, $0x1;
	s10 =	sld [smem:$0x3FB4];
	_ =	sdelay $0x3  }
0x37: {  	[smem:$0x3FB4] =	sst s10  }
0x38: {  	s10 =	sld [smem:$0x3FB5]  }
0x39: {  	_ = 	snop;
	(pc) =	sbr.ind lr, $3  }
0x3a: {  	_ = 	snop  }
0x3b: {  	_ = 	snop  }
0x3c: {  	p2 =	seq.s32 s10, $0x1;
	s10 =	sld [smem:$0x3FB4]  }
0x3d: {  	_ =	shalt  }
0x3e: {  	_ =	shalt  }
0x3f: {  	_ =	shalt  }
0x40: {  	_ =	shalt  }
0x41: {  	_ =	shalt  }
0x42: {  	_ =	shalt  }
0x43: {  	_ =	shalt  }
0x44: {  	_ =	shalt  }
0x45: {  	_ =	shalt  }
0x46: {  	_ =	shalt  }
0x47: {  	_ =	shalt  }
0x48: {  	_ =	shalt  }
0x49: {  	_ =	shalt  }
0x4a: {  	_ =	shalt  }
0x4b: {  	_ =	shalt  }
0x4c: {  	_ =	shalt  }
0x4d: {  	_ =	shalt  }
0x4e: {  	_ =	shalt  }
0x4f: {  	_ =	shalt  }
0x50: {  	_ =	shalt  }
0x51: {  	_ =	shalt  }
0x52: {  	_ =	shalt  }
0x53: {  	_ =	shalt  }
0x54: {  	_ =	shalt  }
0x55: {  	_ =	shalt  }
0x56: {  	_ =	shalt  }
0x57: {  	_ =	shalt  }
0x58: {  	_ =	shalt  }
0x59: {  	_ =	shalt  }
0x5a: {  	_ =	shalt  }
0x5b: {  	_ =	shalt  }
0x5c: {  	_ =	shalt  }
0x5d: {  	_ =	shalt  }
0x5e: {  	_ =	shalt  }
0x5f: {  	_ =	shalt  }
0x60: {  	_ =	shalt  }
0x61: {  	_ =	shalt  }
0x62: {  	_ =	shalt  }
0x63: {  	_ =	shalt  }
0x64: {  	_ =	shalt  }
0x65: {  	_ =	shalt  }
0x66: {  	_ =	shalt  }
0x67: {  	_ =	shalt  }
0x68: {  	_ =	shalt  }
0x69: {  	_ =	shalt  }
0x6a: {  	_ =	shalt  }
0x6b: {  	_ =	shalt  }
0x6c: {  	_ =	shalt  }
0x6d: {  	_ =	shalt  }
0x6e: {  	_ =	shalt  }
0x6f: {  	_ =	shalt  }
0x70: {  	_ =	shalt  }
0x71: {  	_ =	shalt  }
0x72: {  	_ =	shalt  }
0x73: {  	_ =	shalt  }
0x74: {  	_ =	shalt  }
0x75: {  	_ =	shalt  }
0x76: {  	_ =	shalt  }
0x77: {  	_ =	shalt  }
0x78: {  	_ =	shalt  }
0x79: {  	_ =	shalt  }
0x7a: {  	_ =	shalt  }
0x7b: {  	_ =	shalt  }
0x7c: {  	_ =	shalt  }
0x7d: {  	_ =	shalt  }
0x7e: {  	_ =	shalt  }
0x7f: {  	_ =	shalt  }
0x80: {  	_ =	shalt  }
0x81: {  	_ =	shalt  }
0x82: {  	_ =	shalt  }
0x83: {  	_ =	shalt  }
0x84: {  	_ =	shalt  }
0x85: {  	_ =	shalt  }
0x86: {  	_ =	shalt  }
0x87: {  	_ =	shalt  }
.Lfunc_end0:
.L_simem_size_0:
called_computation.2_lowered:
.L_overlay_start_0:
0x88: {  	s2 =	sld [smem:$0x3FD9]  }
0x89: {  	s3 =	sld [smem:$0x3FFE];
	_ =	sdelay $0x1  }
0x8a: {  	s1 =	srdreg.scid  }
0x8b: {  	s0 =	sand.u32 $0x1, s1  }
0x8c: {  	s17 =	sshll.u32 s0, $0xA;
	s2 =	sadd.s32 s3, s2  }
0x8d: {  	s2 =	sadd.s32 s2, s17  }
0x8e: {  	[smem:$0x3FC0] =	sst s2  }
0x8f: {  	_ = 	snop  }
0x90: {  	s2 =	sld [smem:$0x3FD0];
	(tm) =	ssettm $0x1  }
0x91: {  	s18 =	sld [smem:$0x3FFB];
	_ =	sdelay $0x3  }
0x92: {  	_ =	strace s18  }
0x93: {  	s3 =	sld [smem:$0x3FFC];
	_ =	sdelay $0x3  }
0x94: {  	_ =	strace s3  }
0x95: {  	s3 =	sld [smem:$0x3FFD];
	_ =	sdelay $0x3  }
0x96: {  	_ =	strace s3  }
0x97: {  	_ =	strace $0x8FFFFFFF  }
0x98: {  	s19 =	sld [smem:$0x3FDB];
	_ =	sdelay $0x1  }
0x99: {  	s4 =	simm.s32 $_scs_section_size  }
0x9a: {  	s5 =	simm.s32 $_size__tile_overlayer_lowered;
	s6 =	simm.s32 $_tile_overlayer_lowered  }
0x9b: {  	s22 =	simm.s32 $0x1BFF;
	s21 =	sshll.u32 s6, $0x1;
	s3 =	sadd.s32 s4, s19  }
0x9c: {  	s7 =	simm.s32 $0x0;
	s20 =	sshll.u32 s5, $0x1;
	s5 =	sadd.s32 s21, s3  }
0x9d: {  	[timem:s7], [sflag:s22] =	dma.local [hbm:s5], s20  }
0x9e: {  	_ =	swait.ge [sflag:s22], s20  }
0x9f: {  	s4 =	ssub.s32 $0x0, s20;
	[sflag:s22] =	ssyncset.done $0x0  }
0xa0: {  	[sflag:s22] =	ssyncadd.s32 s4;
	_ =	sdelay $0x1  }
0xa1: {  	s23 =	simm.s32 $0x1B8B  }
0xa2: {  	_ =	swait.ge [sflag:s23], $0x1  }
0xa3: {  	[sflag:s23] =	ssyncset.done $0x0  }
0xa4: {  	s25 =	simm.s32 $0x1B8E;
	s24 =	sld [smem:$0x3FFE];
	[sflag:s23] =	ssyncadd.s32 $0xFFFFFFFF  }
0xa5: {  	s26 =	simm.s32 $execute0_lowered;
	[smem:$0x3FD2] =	sst s25  }
0xa6: {  	s5 =	sshll.u32 s26, $0x1;
	_ =	strace $0x8000004C;
	[dreg:$0x1] =	wrdreg $0xFFFFFFFF  }
0xa7: {  	s28 =	simm.s32 $_size_execute0_lowered;
	s3 =	sadd.s32 s3, s5;
	[dreg:$0x0] =	wrdreg $0x0  }
0xa8: {  	s5 =	sshll.u32 s28, $0x1;
	[dreg:$0x2] =	wrdreg s3  }
0xa9: {  	[dreg:$0x3] =	wrdreg s5  }
0xaa: {  	[dreg:$0x4] =	wrdreg $0xC0  }
0xab: {  	_ =	task [dreg:s7], $0x5FFFF  }
0xac: {  	[dreg:$0x1] =	wrdreg $0xFFFFFFFF  }
0xad: {  	[dreg:$0x0] =	wrdreg $0x60  }
0xae: {  	[dreg:$0x2] =	wrdreg s24  }
0xaf: {  	[dreg:$0x3] =	wrdreg s2  }
0xb0: {  	[dreg:$0x4] =	wrdreg $0x9  }
0xb1: {  	_ =	task.clear_ibuf [dreg:s7], $0x5FFFF;
	_ =	strace $0x9000004C  }
0xb2: {  	s29 =	simm.s32 $0x9;
	_ =	strace $0x8000004E  }
0xb3: {  	_ =	swait.ge [sflag:s29], $0x1  }
0xb4: {  	[sflag:s29] =	ssyncadd.s32 $0xFFFFFFFF  }
0xb5: {  	_ =	strace $0x9000004E  }
0xb6: {  	_ =	sfence  }
0xb7: {  	s30 =	sld [smem:$0x0];
	_ =	sdelay $0x2  }
0xb8: {  	s31 =	sshll.u32 s1, $0xD;
	s1 =	sshrl.u32 s1, $0x2  }
0xb9: {  	s3 =	sand.u32 $0x4000, s31;
	s1 =	sadd.s32 s1, s30  }
0xba: {  	s0 =	sor.u32 s3, s0;
	s1 =	sshll.u32 s1, $0x11  }
0xbb: {  	s0 =	sor.u32 s1, s0  }
0xbc: {  	s0 =	sadd.s32 $0x8F2B, s0  }
0xbd: {  	[sflag:s0] =	ssyncadd.remote.s32 $0x1  }
0xbe: {  	_ =	sfence.sel $0xFFFF  }
0xbf: {  	[dreg:$0x0] =	wrdreg $0xFFFFFFFF;
	(pc) =	sbr.abs _section_cstart, $3  }
0xc0: {  	[dreg:$0x1] =	wrdreg $0xFFFFFFFF  }
0xc1: {  	_ =	task.clear_ibuf [dreg:s7], $0x2FFFF;
	_ =	strace $0x9FFFFFFF  }
0xc2: {  	(tm) =	ssettm $0x7FFFFFFF  }
0xc3: {  	_ =	shalt  }
tec
execute0_lowered:
.L_overlay_start_1:
0x0: {  	(tag) =	ssettag $0x1  }
0x1: {  	s4 =	rddreg [dreg:$0x0];
	s1 =	srdreg.scid  }
0x2: {  	s0 =	stileid.u32;
	s5 =	rddreg [dreg:$0x1]  }
0x3: {  	s2 =	simm.s32 $0x0;
	s11 =	simm.s32 $0x2800;
	s14 =	simm.s32 $0x2BC0  }
0x4: {  	s15 =	simm.s32 $0x2A80;
	s3 =	sand.u32 $0x1, s1;
	s6 =	sshll.u32 s0, $0x1  }
0x5: {  	s16 =	simm.s32 $0x3FC0;
	s1 =	rddreg [dreg:$0x2];
	s6 =	sor.u32 s3, s6  }
0x6: {  	s17 =	simm.s32 $0x0;
	[smem:$0x7FF] =	sst s2;
	s9 =	smul.u32 $0x280, s6  }
0x7: {  	s10 =	sadd.s32 $0x5F000, s4;
	s3 =	ssub.s32 $0x2, s3;
	s12 =	smul.u32 $0x28, s6  }
0x8: {  	s13 =	sadd.s32 $0x500, s5;
	_ =	strace $0x8000004D;
	s8 =	sshrl.u32 s3, $0x1  }
0x9: {  	s8 =	ssub.s32 s3, s8;
	s7 =	sadd.s32 s9, s4;
	s4 =	sadd.s32 s5, s12  }
0xa: {  	s9 =	sadd.s32 s9, s10;
	s10 =	simm.s32 $0x1400;
	s12 =	sadd.s32 s12, s13  }
0xb: {  	s13 =	simm.s32 $0x2940;
	s3 =	sadd.s32 $0x5A000, s7;
	s5 =	sadd.s32 $0x50000, s7  }
0xc: {  	s6 =	sadd.s32 $0x55000, s7;
	s7 =	smax.u32 s8, $0x1;
	s8 =	simm.s32 $0x1  }
.LBB2_1:
0xd: {  	[tilespmem:s2], [sflag:$0x1] =	stream.linear.gather [hbm4b:s3+s2], $0x1400, $0x38;
	[tilespmem:$0x53C0] =	vst v63  }
0xe: {  	_ =	swait.ge [sflag:s8], $0x1400  }
0xf: {  	[sflag:s8] =	ssyncset.done $0x0  }
0x10: {  	[sflag:s8] =	ssyncadd.s32 $0xFFFFEC00  }
0x11: {  	[tilespmem:s10], [sflag:$0x1] =	stream.linear.gather [hbm4b:s9+s2], $0x1400, $0x38;
	[tilespmem:$0x53C0] =	vst v63  }
0x12: {  	_ =	swait.ge [sflag:s8], $0x1400  }
0x13: {  	[sflag:s8] =	ssyncset.done $0x0  }
0x14: {  	[sflag:s8] =	ssyncadd.s32 $0xFFFFEC00  }
0x15: {  	[tilespmem:s11], [sflag:$0x1] =	stream.linear.gather [hbm4b:s4+s2], $0x140, $0x38;
	[tilespmem:$0x53C0] =	vst v63  }
0x16: {  	_ =	swait.ge [sflag:s8], $0x140  }
0x17: {  	[sflag:s8] =	ssyncset.done $0x0  }
0x18: {  	[sflag:s8] =	ssyncadd.s32 $0xFFFFFEC0  }
0x19: {  	[tilespmem:s13], [sflag:$0x1] =	stream.linear.gather [hbm4b:s12+s2], $0x140, $0x38;
	[tilespmem:$0x53C0] =	vst v63  }
0x1a: {  	_ =	swait.ge [sflag:s8], $0x140  }
0x1b: {  	[sflag:s8] =	ssyncset.done $0x0  }
0x1c: {  	[sflag:s8] =	ssyncadd.s32 $0xFFFFFEC0  }
0x1d: {  	[tilespmem:s14], [sflag:$0x1] =	stream.linear.gather [hbm4b:s5+s2], $0x1400, $0x38;
	[tilespmem:$0x53C0] =	vst v63  }
0x1e: {  	_ =	swait.ge [sflag:s8], $0x1400  }
0x1f: {  	[sflag:s8] =	ssyncset.done $0x0  }
0x20: {  	s18 =	simm.s32 $0x0;
	[sflag:s8] =	ssyncadd.s32 $0xFFFFEC00  }
0x21: {  	v0 =	vld [tilespmem:s18+$0x2800]  }
0x22: {  	v1 =	vld [tilespmem:s18+$0x2940]  }
0x23: {  	s19 =	simm.s32 $0x10  }
0x24: {  	v2 =	vld [tilespmem:s19+$0x2800]  }
0x25: {  	v3 =	vld [tilespmem:s19+$0x2940];
	_ =	sdelay $0x1  }
0x26: {  	v0 =	vadd.f32 v1, v0;
	_ =	sdelay $0x1  }
0x27: {  	v0 =	vmax.f32 v0, $1.000000000e+00  }
0x28: {  	v1 =	vadd.f32 v3, v2;
	(erf) = vrcp.f32 v0;
	_ =	sdelay $0x1  }
0x29: {  	s20 =	simm.s32 $0x20;
	v2 =	vmax.f32 v1, $1.000000000e+00  }
0x2a: {  	v1 =	vld [tilespmem:s20+$0x2940];
	(erf) = vrcp.f32 v2  }
0x2b: {  	v0 =	vld [tilespmem:s20+$0x2800];
	_ =	sdelay $0x1  }
0x2c: {  	s21 =	simm.s32 $0xC0  }
.LBB2_2:
0x2d: {  	p0 =	sne.s32 s21, $0x4C0  }
.Ltmp0:
0x2e: {  	s22 =	sshra.s32 s21, $0x2;
	(pc) =	sbr.rel @p0 .LBB2_2-.Ltmp0, $4  }
0x2f: {  	s21 =	sadd.s32 $0x40, s21;
	v3 =	vpop (erf);
	v2 =	vadd.f32 v1, v0;
	v0 =	vld [tilespmem:s22+$0x2800]  }
0x30: {  	v1 =	vld [tilespmem:s22+$0x2940];
	[tilespmem:s18+$0x2A80] =	vst v3;
	s18 =	smov.u32 s19;
	s19 =	smov.u32 s20;
	s20 =	smov.u32 s22  }
0x31: {  	v2 =	vmax.f32 v2, $1.000000000e+00  }
0x32: {  	(erf) = vrcp.f32 v2  }
0x33: {  	_ =	sdelay $0x1  }
0x34: {  	v0 =	vadd.f32 v1, v0;
	_ =	sdelay $0x1  }
0x35: {  	v0 =	vmax.f32 v0, $1.000000000e+00  }
0x36: {  	(erf) = vrcp.f32 v0;
	_ =	sdelay $0x6  }
0x37: {  	v0 =	vpop (erf)  }
0x38: {  	s28 =	simm.s32 $0x0;
	[tilespmem:s18+$0x2A80] =	vst v0;
	v0 =	vpop (erf)  }
0x39: {  	v1 =	vmov s28;
	[tilespmem:s19+$0x2A80] =	vst v0;
	v0 =	vpop (erf)  }
0x3a: {  	[tilespmem:s20+$0x2A80] =	vst v0  }
0x3b: {  	s29 =	simm.s32 $0x1400;
	v0 =	vld [tilespmem:s28+$0x0]  }
0x3c: {  	v2 =	vld [tilespmem:s29+$0x0];
	_ =	sdelay $0x1  }
0x3d: {  	v1 =	vld.idx.msk [tilespmem:v1+s15+$0x0], $0xffff  }
0x3e: {  	s30 =	simm.s32 $0x2BC0  }
0x3f: {  	v3 =	vld [tilespmem:s30+$0x0]  }
0x40: {  	v0 =	vadd.f32 v2, v0;
	_ =	sdelay $0x1  }
0x41: {  	v0 =	vmul.f32 v0, v1;
	_ =	sdelay $0x1  }
0x42: {  	s31 =	simm.s32 $0x1;
	v0 =	vadd.f32 v0, v3  }
0x43: {  	s18 =	simm.s32 $0x3FC0;
	v1 =	vmov s31  }
0x44: {  	s19 =	simm.s32 $0x10;
	[tilespmem:s18+$0x0] =	vst v0  }
0x45: {  	s20 =	simm.s32 $0x1410;
	v0 =	vld [tilespmem:s19+$0x0]  }
0x46: {  	v2 =	vld [tilespmem:s20+$0x0];
	_ =	sdelay $0x1  }
0x47: {  	v1 =	vld.idx.msk [tilespmem:v1+s15+$0x0], $0xffff  }
0x48: {  	s21 =	simm.s32 $0x2BD0  }
0x49: {  	v3 =	vld [tilespmem:s21+$0x0]  }
0x4a: {  	v0 =	vadd.f32 v2, v0;
	_ =	sdelay $0x1  }
0x4b: {  	v1 =	vmul.f32 v0, v1  }
0x4c: {  	s22 =	simm.s32 $0x2  }
0x4d: {  	v0 =	vmov s22;
	s22 =	simm.s32 $0x3;
	v1 =	vadd.f32 v1, v3  }
.LBB2_4:
0x4e: {  	p0 =	sne.s32 s22, $0x13F;
	s18 =	sadd.s32 $0x10, s18  }
0x4f: {  	s19 =	sadd.s32 $0x10, s19;
	[tilespmem:s18+$0x0] =	vst v1  }
0x50: {  	s20 =	sadd.s32 $0x10, s20;
	v1 =	vld [tilespmem:s19+$0x0]  }
0x51: {  	v2 =	vld [tilespmem:s20+$0x0]  }
0x52: {  	v0 =	vld.idx.msk [tilespmem:v0+s15+$0x0], $0xffff;
	_ =	sdelay $0x1  }
0x53: {  	s21 =	sadd.s32 $0x10, s21  }
0x54: {  	v3 =	vld [tilespmem:s21+$0x0]  }
.Ltmp1:
0x55: {  	v1 =	vadd.f32 v2, v1;
	(pc) =	sbr.rel @p0 .LBB2_4-.Ltmp1, $3  }
0x56: {  	_ = 	snop  }
0x57: {  	v1 =	vmul.f32 v1, v0;
	_ =	sdelay $0x1  }
0x58: {  	v0 =	vmov s22;
	s22 =	sadd.s32 $0x1, s22;
	v1 =	vadd.f32 v1, v3  }
0x59: {  	s18 =	sadd.s32 $0x10, s18  }
0x5a: {  	s19 =	sadd.s32 $0x10, s19;
	[tilespmem:s18+$0x0] =	vst v1  }
0x5b: {  	s30 =	sadd.s32 $0x10, s20;
	v1 =	vld [tilespmem:s19+$0x0]  }
0x5c: {  	v2 =	vld [tilespmem:s30+$0x0];
	_ =	sdelay $0x1  }
0x5d: {  	v0 =	vld.idx.msk [tilespmem:v0+s15+$0x0], $0xffff  }
0x5e: {  	s31 =	sadd.s32 $0x10, s21  }
0x5f: {  	v3 =	vld [tilespmem:s31+$0x0]  }
0x60: {  	v1 =	vadd.f32 v2, v1;
	_ =	sdelay $0x1  }
0x61: {  	v0 =	vmul.f32 v1, v0;
	_ =	sdelay $0x1  }
0x62: {  	s17 =	sadd.s32 $0x1, s17;
	v0 =	vadd.f32 v0, v3  }
0x63: {  	s18 =	sadd.s32 $0x10, s18;
	p0 =	sne.s32 s17, s7  }
.Ltmp2:
0x64: {  	[tilespmem:s18+$0x0] =	vst v0;
	(pc) =	sbr.rel @p0 .LBB2_1-.Ltmp2, $4  }
0x65: {  	[hbm4b:s6+s2] =	stream.linear.scatter [tilespmem:s16], [sflag:$0x1], $0x1400, $0x38;
	[tilespmem:$0x53C0] =	vst v63  }
0x66: {  	_ =	swait.ge [sflag:s8], $0x1400  }
0x67: {  	[sflag:s8] =	ssyncset.done $0x0  }
0x68: {  	[sflag:s8] =	ssyncadd.s32 $0xFFFFEC00  }
0x69: {  	_ =	sfence.sel $0x180000  }
0x6a: {  	[bflag:$0x0] =	sbarrier.arrive $0xFFFF  }
0x6b: {  	p0 =	sne.s32 s0, $0x0;
	_ =	strace $0x9000004D  }
0x6c: {  	s0 =	sadd.s32 @!p0 $0x100000, s1;
	[bflag:$0x2] =	sbarrier.arrive $0xFFFF  }
0x6d: {  	[sflag:s0] =	ssyncadd.tile.s32 @!p0 $0x1;
	_ =	shalt  }
.Lfunc_end2:
_tile_overlayer_lowered:
.L_overlay_start_2:
0x6e: {  	(tag) =	ssettag $0x2  }
0x6f: {  	s0 =	rddreg [dreg:$0x0];
	s2 =	stileid.u32  }
0x70: {  	s1 =	rddreg [dreg:$0x1];
	p0 =	sne.s32 s2, $0x0  }
0x71: {  	s3 =	rddreg [dreg:$0x2];
	[bflag:$0x3] =	sbarrier.arrive $0xFFFF;
	s2 =	simm.s32 @!p0 $0x1C01  }
0x72: {  	[timem:s3], [sflag:s2] =	dma.local @!p0 [hbm:s0], s1  }
0x73: {  	s0 =	simm.s32 @!p0 $0x1  }
0x74: {  	_ =	swait.ge @!p0 [sflag:s0], s1  }
0x75: {  	s1 =	ssub.s32 @!p0 $0x0, s1;
	[sflag:s0] =	ssyncset.done @!p0 $0x0  }
0x76: {  	[sflag:s0] =	ssyncadd.s32 @!p0 s1  }
0x77: {  	[bflag:$0x3] =	sbarrier.arrive $0xFFFF  }
0x78: {  	_ =	shalt  }

// kernel: kernel.6.cloned.1.call-start
scs
__scs_entry_jumppad:
0x0: {  	(pc) =	sbr.rel $0x88, $3  }
0x1: {  	(tag) =	ssettag $0x0;
	lr =	simm.s32 $0x1  }
0x2: {  	[smem:$0x3F99] =	sst lr;
	_ =	strace $0xD0000000  }
0x3: {  	_ = 	snop  }
0x4: {  	_ = 	snop  }
0x5: {  	_ = 	snop  }
0x6: {  	_ = 	snop  }
0x7: {  	_ = 	snop  }
__scs_overlays_trampoline_lowered:
0x8: {  	[smem:$0x3FA8] =	sst s0  }
0x9: {  	[smem:$0x3FA9] =	sst s1  }
0xa: {  	[smem:$0x3FAA] =	sst s2  }
0xb: {  	[smem:$0x3FAB] =	sst s3  }
0xc: {  	[smem:$0x3FAC] =	sst s4  }
0xd: {  	[smem:$0x3FAD] =	sst s5  }
0xe: {  	[smem:$0x3FAE] =	sst s6  }
0xf: {  	[smem:$0x3FAF] =	sst s7  }
0x10: {  	[smem:$0x3FB0] =	sst s8  }
0x11: {  	[smem:$0x3FB1] =	sst s9;
	s0 =	simm.s32 @!p0 $0x0  }
0x12: {  	s1 =	sld [smem:$0x3F97];
	s0 =	simm.s32 @p0 $0x1  }
0x13: {  	[smem:$0x3FB2] =	sst s0;
	s0 =	simm.s32 @!p1 $0x0  }
0x14: {  	s2 =	sld [smem:$0x3F96];
	s0 =	simm.s32 @p1 $0x1  }
0x15: {  	[smem:$0x3FB3] =	sst s0;
	s0 =	simm.s32 @!p2 $0x0  }
0x16: {  	s3 =	sld [smem:$0x3FDB];
	s0 =	simm.s32 @p2 $0x1  }
0x17: {  	s4 =	simm.s32 $0x1BF5;
	[smem:$0x3FB5] =	sst s0  }
0x18: {  	s0 =	sld [smem:$0x3F98];
	_ =	swait.ge [sflag:s4], $0x0  }
0x19: {  	s7 =	sld [smem:$0x3F99]  }
0x1a: {  	s8 =	sadd.s32 $0xFFFFE003, lr  }
0x1b: {  	s9 =	sadd.s32 $0xFFFFFEF7, lr;
	s5 =	simm.s32 $0xFFFFFFFF;
	p2 =	slt.u32 s8, $0xFFFFF086  }
0x1c: {  	p1 =	slt.u32 s9, $0xF7A;
	s5 =	simm.s32 @!p2 $0x0  }
0x1d: {  	s5 =	simm.s32 @p1 $0x1;
	p0 =	seq.s32 s7, s2  }
0x1e: {  	s7 =	smul.u32 @!p0 $0xF7A, s2;
	p2 =	seq.s32 @!p0 s5, $0x0  }
0x1f: {  	s9 =	smul.u32 $0xF7A, s1;
	s8 =	simm.s32 @!p0 $0x1BF5;
	p2 =	por !p2, p0  }
0x20: {  	[sflag:s8] =	ssyncset.s32 @!p0 $0xFFFFF086;
	s6 =	sadd.s32 @!p0 s3, s7;
	s7 =	simm.s32 @!p0 $0x108  }
0x21: {  	s3 =	sadd.s32 s3, s9;
	s6 =	sadd.s32 @!p0 $0x88, s6;
	s7 =	simm.s32 @p2 $0x1082  }
0x22: {  	[simem:s7], [sflag:s8] =	dma.local @!p0 [hbm:s6], $0xF7A  }
0x23: {  	s9 =	sor.u32 $0xD0000000, s2;
	s6 =	simm.s32 $0x108;
	_ =	swait.ge @!p0 [sflag:s8], $0x0  }
0x24: {  	s3 =	sadd.s32 $0x88, s3;
	s6 =	simm.s32 @!p1 $0x1082;
	[sflag:s4] =	ssyncset.s32 $0xFFFFF086  }
0x25: {  	[simem:s6], [sflag:s4] =	dma.local [hbm:s3], $0xF7A  }
0x26: {  	[smem:$0x3F99] =	sst s1;
	(tag) =	ssettag s2;
	_ =	strace s9  }
0x27: {  	s1 =	sld [smem:$0x3FA9]  }
0x28: {  	s2 =	sld [smem:$0x3FAA]  }
0x29: {  	s4 =	sld [smem:$0x3FAC]  }
0x2a: {  	p0 =	seq.s32 s5, $0x0;
	s5 =	sld [smem:$0x3FAD]  }
0x2b: {  	s6 =	sld [smem:$0x3FAE]  }
0x2c: {  	s7 =	sld [smem:$0x3FAF]  }
0x2d: {  	s3 =	simm.s32 $0x108;
	s8 =	sld [smem:$0x3FB0]  }
0x2e: {  	s3 =	simm.s32 @!p0 $0x1082;
	s9 =	sld [smem:$0x3FB1]  }
0x2f: {  	lr =	sadd.s32 s0, s3;
	s0 =	sld [smem:$0x3FA8]  }
0x30: {  	s3 =	sld [smem:$0x3FAB]  }
0x31: {  	[smem:$0x3FB4] =	sst s10  }
0x32: {  	s10 =	sld [smem:$0x3FB2];
	_ =	sdelay $0x3  }
0x33: {  	p0 =	seq.s32 s10, $0x1;
	s10 =	sld [smem:$0x3FB4];
	_ =	sdelay $0x3  }
0x34: {  	[smem:$0x3FB4] =	sst s10  }
0x35: {  	s10 =	sld [smem:$0x3FB3];
	_ =	sdelay $0x3  }
0x36: {  	p1 =	seq.s32 s10, $0x1;
	s10 =	sld [smem:$0x3FB4];
	_ =	sdelay $0x3  }
0x37: {  	[smem:$0x3FB4] =	sst s10  }
0x38: {  	s10 =	sld [smem:$0x3FB5]  }
0x39: {  	_ = 	snop;
	(pc) =	sbr.ind lr, $3  }
0x3a: {  	_ = 	snop  }
0x3b: {  	_ = 	snop  }
0x3c: {  	p2 =	seq.s32 s10, $0x1;
	s10 =	sld [smem:$0x3FB4]  }
0x3d: {  	_ =	shalt  }
0x3e: {  	_ =	shalt  }
0x3f: {  	_ =	shalt  }
0x40: {  	_ =	shalt  }
0x41: {  	_ =	shalt  }
0x42: {  	_ =	shalt  }
0x43: {  	_ =	shalt  }
0x44: {  	_ =	shalt  }
0x45: {  	_ =	shalt  }
0x46: {  	_ =	shalt  }
0x47: {  	_ =	shalt  }
0x48: {  	_ =	shalt  }
0x49: {  	_ =	shalt  }
0x4a: {  	_ =	shalt  }
0x4b: {  	_ =	shalt  }
0x4c: {  	_ =	shalt  }
0x4d: {  	_ =	shalt  }
0x4e: {  	_ =	shalt  }
0x4f: {  	_ =	shalt  }
0x50: {  	_ =	shalt  }
0x51: {  	_ =	shalt  }
0x52: {  	_ =	shalt  }
0x53: {  	_ =	shalt  }
0x54: {  	_ =	shalt  }
0x55: {  	_ =	shalt  }
0x56: {  	_ =	shalt  }
0x57: {  	_ =	shalt  }
0x58: {  	_ =	shalt  }
0x59: {  	_ =	shalt  }
0x5a: {  	_ =	shalt  }
0x5b: {  	_ =	shalt  }
0x5c: {  	_ =	shalt  }
0x5d: {  	_ =	shalt  }
0x5e: {  	_ =	shalt  }
0x5f: {  	_ =	shalt  }
0x60: {  	_ =	shalt  }
0x61: {  	_ =	shalt  }
0x62: {  	_ =	shalt  }
0x63: {  	_ =	shalt  }
0x64: {  	_ =	shalt  }
0x65: {  	_ =	shalt  }
0x66: {  	_ =	shalt  }
0x67: {  	_ =	shalt  }
0x68: {  	_ =	shalt  }
0x69: {  	_ =	shalt  }
0x6a: {  	_ =	shalt  }
0x6b: {  	_ =	shalt  }
0x6c: {  	_ =	shalt  }
0x6d: {  	_ =	shalt  }
0x6e: {  	_ =	shalt  }
0x6f: {  	_ =	shalt  }
0x70: {  	_ =	shalt  }
0x71: {  	_ =	shalt  }
0x72: {  	_ =	shalt  }
0x73: {  	_ =	shalt  }
0x74: {  	_ =	shalt  }
0x75: {  	_ =	shalt  }
0x76: {  	_ =	shalt  }
0x77: {  	_ =	shalt  }
0x78: {  	_ =	shalt  }
0x79: {  	_ =	shalt  }
0x7a: {  	_ =	shalt  }
0x7b: {  	_ =	shalt  }
0x7c: {  	_ =	shalt  }
0x7d: {  	_ =	shalt  }
0x7e: {  	_ =	shalt  }
0x7f: {  	_ =	shalt  }
0x80: {  	_ =	shalt  }
0x81: {  	_ =	shalt  }
0x82: {  	_ =	shalt  }
0x83: {  	_ =	shalt  }
0x84: {  	_ =	shalt  }
0x85: {  	_ =	shalt  }
0x86: {  	_ =	shalt  }
0x87: {  	_ =	shalt  }
.Lfunc_end0:
.L_simem_size_0:
called_computation_lowered:
.L_overlay_start_0:
0x88: {  	s2 =	sld [smem:$0x3FD9]  }
0x89: {  	s3 =	sld [smem:$0x3FFE];
	_ =	sdelay $0x1  }
0x8a: {  	s1 =	srdreg.scid  }
0x8b: {  	s0 =	sand.u32 $0x1, s1  }
0x8c: {  	s17 =	sshll.u32 s0, $0xA;
	s2 =	sadd.s32 s3, s2  }
0x8d: {  	s2 =	sadd.s32 s2, s17  }
0x8e: {  	[smem:$0x3FC0] =	sst s2  }
0x8f: {  	_ = 	snop  }
0x90: {  	s2 =	sld [smem:$0x3FD0];
	(tm) =	ssettm $0x1  }
0x91: {  	s18 =	sld [smem:$0x3FFB];
	_ =	sdelay $0x3  }
0x92: {  	_ =	strace s18  }
0x93: {  	s3 =	sld [smem:$0x3FFC];
	_ =	sdelay $0x3  }
0x94: {  	_ =	strace s3  }
0x95: {  	s3 =	sld [smem:$0x3FFD];
	_ =	sdelay $0x3  }
0x96: {  	_ =	strace s3  }
0x97: {  	_ =	strace $0x8FFFFFFF  }
0x98: {  	s19 =	sld [smem:$0x3FDB];
	_ =	sdelay $0x1  }
0x99: {  	s4 =	simm.s32 $_scs_section_size  }
0x9a: {  	s5 =	simm.s32 $_size__tile_overlayer_lowered;
	s6 =	simm.s32 $_tile_overlayer_lowered  }
0x9b: {  	s22 =	simm.s32 $0x1BFF;
	s21 =	sshll.u32 s6, $0x1;
	s3 =	sadd.s32 s4, s19  }
0x9c: {  	s7 =	simm.s32 $0x0;
	s20 =	sshll.u32 s5, $0x1;
	s5 =	sadd.s32 s21, s3  }
0x9d: {  	[timem:s7], [sflag:s22] =	dma.local [hbm:s5], s20  }
0x9e: {  	_ =	swait.ge [sflag:s22], s20  }
0x9f: {  	s4 =	ssub.s32 $0x0, s20;
	[sflag:s22] =	ssyncset.done $0x0  }
0xa0: {  	[sflag:s22] =	ssyncadd.s32 s4;
	_ =	sdelay $0x1  }
0xa1: {  	s23 =	simm.s32 $0x1B8B  }
0xa2: {  	_ =	swait.ge [sflag:s23], $0x1  }
0xa3: {  	[sflag:s23] =	ssyncset.done $0x0  }
0xa4: {  	s25 =	simm.s32 $0x1B8E;
	s24 =	sld [smem:$0x3FFE];
	[sflag:s23] =	ssyncadd.s32 $0xFFFFFFFF  }
0xa5: {  	s26 =	simm.s32 $execute0_lowered;
	[smem:$0x3FD2] =	sst s25  }
0xa6: {  	s5 =	sshll.u32 s26, $0x1;
	_ =	strace $0x80000046;
	[dreg:$0x1] =	wrdreg $0xFFFFFFFF  }
0xa7: {  	s28 =	simm.s32 $_size_execute0_lowered;
	s3 =	sadd.s32 s3, s5;
	[dreg:$0x0] =	wrdreg $0x0  }
0xa8: {  	s5 =	sshll.u32 s28, $0x1;
	[dreg:$0x2] =	wrdreg s3  }
0xa9: {  	[dreg:$0x3] =	wrdreg s5  }
0xaa: {  	[dreg:$0x4] =	wrdreg $0xC0  }
0xab: {  	_ =	task [dreg:s7], $0x5FFFF  }
0xac: {  	[dreg:$0x1] =	wrdreg $0xFFFFFFFF  }
0xad: {  	[dreg:$0x0] =	wrdreg $0x60  }
0xae: {  	[dreg:$0x2] =	wrdreg s24  }
0xaf: {  	[dreg:$0x3] =	wrdreg s2  }
0xb0: {  	[dreg:$0x4] =	wrdreg $0x9  }
0xb1: {  	_ =	task.clear_ibuf [dreg:s7], $0x5FFFF;
	_ =	strace $0x90000046  }
0xb2: {  	s29 =	simm.s32 $0x9;
	_ =	strace $0x80000048  }
0xb3: {  	_ =	swait.ge [sflag:s29], $0x1  }
0xb4: {  	[sflag:s29] =	ssyncadd.s32 $0xFFFFFFFF  }
0xb5: {  	_ =	strace $0x90000048  }
0xb6: {  	_ =	sfence  }
0xb7: {  	s30 =	sld [smem:$0x0];
	_ =	sdelay $0x2  }
0xb8: {  	s31 =	sshll.u32 s1, $0xD;
	s1 =	sshrl.u32 s1, $0x2  }
0xb9: {  	s3 =	sand.u32 $0x4000, s31;
	s1 =	sadd.s32 s1, s30  }
0xba: {  	s0 =	sor.u32 s3, s0;
	s1 =	sshll.u32 s1, $0x11  }
0xbb: {  	s0 =	sor.u32 s1, s0  }
0xbc: {  	s0 =	sadd.s32 $0x8F2B, s0  }
0xbd: {  	[sflag:s0] =	ssyncadd.remote.s32 $0x1  }
0xbe: {  	_ =	sfence.sel $0xFFFF  }
0xbf: {  	[dreg:$0x0] =	wrdreg $0xFFFFFFFF;
	(pc) =	sbr.abs _section_cstart, $3  }
0xc0: {  	[dreg:$0x1] =	wrdreg $0xFFFFFFFF  }
0xc1: {  	_ =	task.clear_ibuf [dreg:s7], $0x2FFFF;
	_ =	strace $0x9FFFFFFF  }
0xc2: {  	(tm) =	ssettm $0x7FFFFFFF  }
0xc3: {  	_ =	shalt  }
tec
execute0_lowered:
.L_overlay_start_1:
0x0: {  	(tag) =	ssettag $0x1  }
0x1: {  	s1 =	srdreg.scid;
	s0 =	stileid.u32  }
0x2: {  	s4 =	rddreg [dreg:$0x0];
	s5 =	sand.u32 $0x1, s1;
	s30 =	sshll.u32 s0, $0x1  }
0x3: {  	s2 =	rddreg [dreg:$0x1];
	s3 =	simm.s32 $0x0;
	s6 =	sor.u32 s5, s30  }
0x4: {  	s9 =	simm.s32 $0x1;
	s10 =	simm.s32 $0x1400;
	s7 =	smul.u32 $0x280, s6  }
0x5: {  	s11 =	simm.s32 $0x0;
	[smem:$0x7FF] =	sst s3;
	s6 =	smul.u32 $0x2710, s6  }
0x6: {  	s1 =	rddreg [dreg:$0x2];
	_ =	strace $0x80000047;
	s5 =	ssub.s32 $0x2, s5  }
0x7: {  	s31 =	sshrl.u32 s5, $0x1;
	s7 =	sadd.s32 s7, s4;
	s6 =	sadd.s32 s6, s4  }
0x8: {  	s8 =	ssub.s32 s5, s31;
	s4 =	sadd.s32 $0x1E00, s7;
	s5 =	sadd.s32 $0x6E00, s6  }
0x9: {  	s6 =	smax.u32 s8, $0x1;
	s7 =	simm.s32 $0x2;
	s8 =	simm.s32 $0x7D  }
.LBB2_1:
0xa: {  	[tilespmem:s3], [sflag:$0x2] =	stream.linear.gather [hbm4b:s4+s3], $0x1400, $0x38;
	[tilespmem:$0x14C80] =	vst v63  }
0xb: {  	_ =	swait.ge [sflag:s7], $0x1400  }
0xc: {  	s12 =	simm.s32 $0x200;
	s15 =	simm.s32 $0x0;
	[sflag:s7] =	ssyncset.done $0x0  }
0xd: {  	s13 =	simm.s32 $0x1BD0;
	s14 =	simm.s32 $0x1400;
	[sflag:s7] =	ssyncadd.s32 $0xFFFFEC00  }
.LBB2_2:
0xe: {  	[tilespmem:s14], [sflag:$0x1] =	stream.indirect.gather [hbm4b:s2+s8], $0x10, s15, s8, $0xb8;
	[tilespmem:$0x14C80] =	vst v63  }
0xf: {  	s15 =	smov.u32 s12;
	s14 =	smov.u32 s13;
	p0 =	sne.s32 s12, $0x4E00  }
.Ltmp0:
0x10: {  	s12 =	sadd.s32 $0x200, s12;
	(pc) =	sbr.rel @p0 .LBB2_2-.Ltmp0, $2  }
0x11: {  	_ =	sdelay $0x2  }
0x12: {  	s13 =	sadd.s32 $0x7D0, s13;
	s15 =	sshra.s32 s15, $0x2  }
0x13: {  	[tilespmem:s14], [sflag:$0x1] =	stream.indirect.gather [hbm4b:s2+s8], $0x10, s15, s8, $0xb8;
	[tilespmem:$0x14C80] =	vst v63  }
0x14: {  	s11 =	sadd.s32 $0x1, s11;
	_ =	swait.ge [sflag:s9], $0x13880  }
0x15: {  	p0 =	sne.s32 s11, s6;
	[sflag:s9] =	ssyncset.done $0x0  }
.Ltmp1:
0x16: {  	[sflag:s9] =	ssyncadd.s32 $0xFFFEC780;
	(pc) =	sbr.rel @p0 .LBB2_1-.Ltmp1, $4  }
0x17: {  	[hbm4b:s5+s3] =	stream.linear.scatter [tilespmem:s10], [sflag:$0x2], $0x13880, $0x38;
	[tilespmem:$0x14C80] =	vst v63  }
0x18: {  	_ =	swait.ge [sflag:s7], $0x13880  }
0x19: {  	[sflag:s7] =	ssyncset.done $0x0  }
0x1a: {  	[sflag:s7] =	ssyncadd.s32 $0xFFFEC780  }
0x1b: {  	_ =	sfence.sel $0x180000  }
0x1c: {  	[bflag:$0x0] =	sbarrier.arrive $0xFFFF  }
0x1d: {  	p0 =	sne.s32 s0, $0x0;
	_ =	strace $0x90000047  }
0x1e: {  	s0 =	sadd.s32 @!p0 $0x100000, s1;
	[bflag:$0x2] =	sbarrier.arrive $0xFFFF  }
0x1f: {  	[sflag:s0] =	ssyncadd.tile.s32 @!p0 $0x1;
	_ =	shalt  }
.Lfunc_end2:
_tile_overlayer_lowered:
.L_overlay_start_2:
0x20: {  	(tag) =	ssettag $0x2  }
0x21: {  	s0 =	rddreg [dreg:$0x0];
	s2 =	stileid.u32  }
0x22: {  	s1 =	rddreg [dreg:$0x1];
	p0 =	sne.s32 s2, $0x0  }
0x23: {  	s3 =	rddreg [dreg:$0x2];
	[bflag:$0x3] =	sbarrier.arrive $0xFFFF;
	s2 =	simm.s32 @!p0 $0x1C02  }
0x24: {  	[timem:s3], [sflag:s2] =	dma.local @!p0 [hbm:s0], s1  }
0x25: {  	s0 =	simm.s32 @!p0 $0x2  }
0x26: {  	_ =	swait.ge @!p0 [sflag:s0], s1  }
0x27: {  	s1 =	ssub.s32 @!p0 $0x0, s1;
	[sflag:s0] =	ssyncset.done @!p0 $0x0  }
0x28: {  	[sflag:s0] =	ssyncadd.s32 @!p0 s1  }
0x29: {  	[bflag:$0x3] =	sbarrier.arrive $0xFFFF  }
0x2a: {  	_ =	shalt  }

// kernel: kernel.9.cloned.1.call-start
scs
__scs_entry_jumppad:
0x0: {  	(pc) =	sbr.rel $0x88, $3  }
0x1: {  	(tag) =	ssettag $0x0;
	lr =	simm.s32 $0x1  }
0x2: {  	[smem:$0x3F99] =	sst lr;
	_ =	strace $0xD0000000  }
0x3: {  	_ = 	snop  }
0x4: {  	_ = 	snop  }
0x5: {  	_ = 	snop  }
0x6: {  	_ = 	snop  }
0x7: {  	_ = 	snop  }
__scs_overlays_trampoline_lowered:
0x8: {  	[smem:$0x3FA8] =	sst s0  }
0x9: {  	[smem:$0x3FA9] =	sst s1  }
0xa: {  	[smem:$0x3FAA] =	sst s2  }
0xb: {  	[smem:$0x3FAB] =	sst s3  }
0xc: {  	[smem:$0x3FAC] =	sst s4  }
0xd: {  	[smem:$0x3FAD] =	sst s5  }
0xe: {  	[smem:$0x3FAE] =	sst s6  }
0xf: {  	[smem:$0x3FAF] =	sst s7  }
0x10: {  	[smem:$0x3FB0] =	sst s8  }
0x11: {  	[smem:$0x3FB1] =	sst s9;
	s0 =	simm.s32 @!p0 $0x0  }
0x12: {  	s1 =	sld [smem:$0x3F97];
	s0 =	simm.s32 @p0 $0x1  }
0x13: {  	[smem:$0x3FB2] =	sst s0;
	s0 =	simm.s32 @!p1 $0x0  }
0x14: {  	s2 =	sld [smem:$0x3F96];
	s0 =	simm.s32 @p1 $0x1  }
0x15: {  	[smem:$0x3FB3] =	sst s0;
	s0 =	simm.s32 @!p2 $0x0  }
0x16: {  	s3 =	sld [smem:$0x3FDB];
	s0 =	simm.s32 @p2 $0x1  }
0x17: {  	s4 =	simm.s32 $0x1BF5;
	[smem:$0x3FB5] =	sst s0  }
0x18: {  	s0 =	sld [smem:$0x3F98];
	_ =	swait.ge [sflag:s4], $0x0  }
0x19: {  	s7 =	sld [smem:$0x3F99]  }
0x1a: {  	s8 =	sadd.s32 $0xFFFFE003, lr  }
0x1b: {  	s9 =	sadd.s32 $0xFFFFFEF7, lr;
	s5 =	simm.s32 $0xFFFFFFFF;
	p2 =	slt.u32 s8, $0xFFFFF086  }
0x1c: {  	p1 =	slt.u32 s9, $0xF7A;
	s5 =	simm.s32 @!p2 $0x0  }
0x1d: {  	s5 =	simm.s32 @p1 $0x1;
	p0 =	seq.s32 s7, s2  }
0x1e: {  	s7 =	smul.u32 @!p0 $0xF7A, s2;
	p2 =	seq.s32 @!p0 s5, $0x0  }
0x1f: {  	s9 =	smul.u32 $0xF7A, s1;
	s8 =	simm.s32 @!p0 $0x1BF5;
	p2 =	por !p2, p0  }
0x20: {  	[sflag:s8] =	ssyncset.s32 @!p0 $0xFFFFF086;
	s6 =	sadd.s32 @!p0 s3, s7;
	s7 =	simm.s32 @!p0 $0x108  }
0x21: {  	s3 =	sadd.s32 s3, s9;
	s6 =	sadd.s32 @!p0 $0x88, s6;
	s7 =	simm.s32 @p2 $0x1082  }
0x22: {  	[simem:s7], [sflag:s8] =	dma.local @!p0 [hbm:s6], $0xF7A  }
0x23: {  	s9 =	sor.u32 $0xD0000000, s2;
	s6 =	simm.s32 $0x108;
	_ =	swait.ge @!p0 [sflag:s8], $0x0  }
0x24: {  	s3 =	sadd.s32 $0x88, s3;
	s6 =	simm.s32 @!p1 $0x1082;
	[sflag:s4] =	ssyncset.s32 $0xFFFFF086  }
0x25: {  	[simem:s6], [sflag:s4] =	dma.local [hbm:s3], $0xF7A  }
0x26: {  	[smem:$0x3F99] =	sst s1;
	(tag) =	ssettag s2;
	_ =	strace s9  }
0x27: {  	s1 =	sld [smem:$0x3FA9]  }
0x28: {  	s2 =	sld [smem:$0x3FAA]  }
0x29: {  	s4 =	sld [smem:$0x3FAC]  }
0x2a: {  	p0 =	seq.s32 s5, $0x0;
	s5 =	sld [smem:$0x3FAD]  }
0x2b: {  	s6 =	sld [smem:$0x3FAE]  }
0x2c: {  	s7 =	sld [smem:$0x3FAF]  }
0x2d: {  	s3 =	simm.s32 $0x108;
	s8 =	sld [smem:$0x3FB0]  }
0x2e: {  	s3 =	simm.s32 @!p0 $0x1082;
	s9 =	sld [smem:$0x3FB1]  }
0x2f: {  	lr =	sadd.s32 s0, s3;
	s0 =	sld [smem:$0x3FA8]  }
0x30: {  	s3 =	sld [smem:$0x3FAB]  }
0x31: {  	[smem:$0x3FB4] =	sst s10  }
0x32: {  	s10 =	sld [smem:$0x3FB2];
	_ =	sdelay $0x3  }
0x33: {  	p0 =	seq.s32 s10, $0x1;
	s10 =	sld [smem:$0x3FB4];
	_ =	sdelay $0x3  }
0x34: {  	[smem:$0x3FB4] =	sst s10  }
0x35: {  	s10 =	sld [smem:$0x3FB3];
	_ =	sdelay $0x3  }
0x36: {  	p1 =	seq.s32 s10, $0x1;
	s10 =	sld [smem:$0x3FB4];
	_ =	sdelay $0x3  }
0x37: {  	[smem:$0x3FB4] =	sst s10  }
0x38: {  	s10 =	sld [smem:$0x3FB5]  }
0x39: {  	_ = 	snop;
	(pc) =	sbr.ind lr, $3  }
0x3a: {  	_ = 	snop  }
0x3b: {  	_ = 	snop  }
0x3c: {  	p2 =	seq.s32 s10, $0x1;
	s10 =	sld [smem:$0x3FB4]  }
0x3d: {  	_ =	shalt  }
0x3e: {  	_ =	shalt  }
0x3f: {  	_ =	shalt  }
0x40: {  	_ =	shalt  }
0x41: {  	_ =	shalt  }
0x42: {  	_ =	shalt  }
0x43: {  	_ =	shalt  }
0x44: {  	_ =	shalt  }
0x45: {  	_ =	shalt  }
0x46: {  	_ =	shalt  }
0x47: {  	_ =	shalt  }
0x48: {  	_ =	shalt  }
0x49: {  	_ =	shalt  }
0x4a: {  	_ =	shalt  }
0x4b: {  	_ =	shalt  }
0x4c: {  	_ =	shalt  }
0x4d: {  	_ =	shalt  }
0x4e: {  	_ =	shalt  }
0x4f: {  	_ =	shalt  }
0x50: {  	_ =	shalt  }
0x51: {  	_ =	shalt  }
0x52: {  	_ =	shalt  }
0x53: {  	_ =	shalt  }
0x54: {  	_ =	shalt  }
0x55: {  	_ =	shalt  }
0x56: {  	_ =	shalt  }
0x57: {  	_ =	shalt  }
0x58: {  	_ =	shalt  }
0x59: {  	_ =	shalt  }
0x5a: {  	_ =	shalt  }
0x5b: {  	_ =	shalt  }
0x5c: {  	_ =	shalt  }
0x5d: {  	_ =	shalt  }
0x5e: {  	_ =	shalt  }
0x5f: {  	_ =	shalt  }
0x60: {  	_ =	shalt  }
0x61: {  	_ =	shalt  }
0x62: {  	_ =	shalt  }
0x63: {  	_ =	shalt  }
0x64: {  	_ =	shalt  }
0x65: {  	_ =	shalt  }
0x66: {  	_ =	shalt  }
0x67: {  	_ =	shalt  }
0x68: {  	_ =	shalt  }
0x69: {  	_ =	shalt  }
0x6a: {  	_ =	shalt  }
0x6b: {  	_ =	shalt  }
0x6c: {  	_ =	shalt  }
0x6d: {  	_ =	shalt  }
0x6e: {  	_ =	shalt  }
0x6f: {  	_ =	shalt  }
0x70: {  	_ =	shalt  }
0x71: {  	_ =	shalt  }
0x72: {  	_ =	shalt  }
0x73: {  	_ =	shalt  }
0x74: {  	_ =	shalt  }
0x75: {  	_ =	shalt  }
0x76: {  	_ =	shalt  }
0x77: {  	_ =	shalt  }
0x78: {  	_ =	shalt  }
0x79: {  	_ =	shalt  }
0x7a: {  	_ =	shalt  }
0x7b: {  	_ =	shalt  }
0x7c: {  	_ =	shalt  }
0x7d: {  	_ =	shalt  }
0x7e: {  	_ =	shalt  }
0x7f: {  	_ =	shalt  }
0x80: {  	_ =	shalt  }
0x81: {  	_ =	shalt  }
0x82: {  	_ =	shalt  }
0x83: {  	_ =	shalt  }
0x84: {  	_ =	shalt  }
0x85: {  	_ =	shalt  }
0x86: {  	_ =	shalt  }
0x87: {  	_ =	shalt  }
.Lfunc_end0:
.L_simem_size_0:
called_computation.1_lowered:
.L_overlay_start_0:
0x88: {  	s2 =	sld [smem:$0x3FD9]  }
0x89: {  	s3 =	sld [smem:$0x3FFE];
	_ =	sdelay $0x1  }
0x8a: {  	s1 =	srdreg.scid  }
0x8b: {  	s0 =	sand.u32 $0x1, s1  }
0x8c: {  	s17 =	sshll.u32 s0, $0xA;
	s2 =	sadd.s32 s3, s2  }
0x8d: {  	s2 =	sadd.s32 s2, s17  }
0x8e: {  	[smem:$0x3FC0] =	sst s2  }
0x8f: {  	_ = 	snop  }
0x90: {  	s2 =	sld [smem:$0x3FD0];
	(tm) =	ssettm $0x1  }
0x91: {  	s18 =	sld [smem:$0x3FFB];
	_ =	sdelay $0x3  }
0x92: {  	_ =	strace s18  }
0x93: {  	s3 =	sld [smem:$0x3FFC];
	_ =	sdelay $0x3  }
0x94: {  	_ =	strace s3  }
0x95: {  	s3 =	sld [smem:$0x3FFD];
	_ =	sdelay $0x3  }
0x96: {  	_ =	strace s3  }
0x97: {  	_ =	strace $0x8FFFFFFF  }
0x98: {  	s19 =	sld [smem:$0x3FDB];
	_ =	sdelay $0x1  }
0x99: {  	s4 =	simm.s32 $_scs_section_size  }
0x9a: {  	s5 =	simm.s32 $_size__tile_overlayer_lowered;
	s6 =	simm.s32 $_tile_overlayer_lowered  }
0x9b: {  	s22 =	simm.s32 $0x1BFF;
	s21 =	sshll.u32 s6, $0x1;
	s3 =	sadd.s32 s4, s19  }
0x9c: {  	s7 =	simm.s32 $0x0;
	s20 =	sshll.u32 s5, $0x1;
	s5 =	sadd.s32 s21, s3  }
0x9d: {  	[timem:s7], [sflag:s22] =	dma.local [hbm:s5], s20  }
0x9e: {  	_ =	swait.ge [sflag:s22], s20  }
0x9f: {  	s4 =	ssub.s32 $0x0, s20;
	[sflag:s22] =	ssyncset.done $0x0  }
0xa0: {  	[sflag:s22] =	ssyncadd.s32 s4;
	_ =	sdelay $0x1  }
0xa1: {  	s23 =	simm.s32 $0x1B8B  }
0xa2: {  	_ =	swait.ge [sflag:s23], $0x1  }
0xa3: {  	[sflag:s23] =	ssyncset.done $0x0  }
0xa4: {  	s25 =	simm.s32 $0x1B8E;
	s24 =	sld [smem:$0x3FFE];
	[sflag:s23] =	ssyncadd.s32 $0xFFFFFFFF  }
0xa5: {  	s26 =	simm.s32 $execute0_lowered;
	[smem:$0x3FD2] =	sst s25  }
0xa6: {  	s5 =	sshll.u32 s26, $0x1;
	_ =	strace $0x80000049;
	[dreg:$0x1] =	wrdreg $0xFFFFFFFF  }
0xa7: {  	s28 =	simm.s32 $_size_execute0_lowered;
	s3 =	sadd.s32 s3, s5;
	[dreg:$0x0] =	wrdreg $0x0  }
0xa8: {  	s5 =	sshll.u32 s28, $0x1;
	[dreg:$0x2] =	wrdreg s3  }
0xa9: {  	[dreg:$0x3] =	wrdreg s5  }
0xaa: {  	[dreg:$0x4] =	wrdreg $0xC0  }
0xab: {  	_ =	task [dreg:s7], $0x5FFFF  }
0xac: {  	[dreg:$0x1] =	wrdreg $0xFFFFFFFF  }
0xad: {  	[dreg:$0x0] =	wrdreg $0x60  }
0xae: {  	[dreg:$0x2] =	wrdreg s24  }
0xaf: {  	[dreg:$0x3] =	wrdreg s2  }
0xb0: {  	[dreg:$0x4] =	wrdreg $0x177800  }
0xb1: {  	[dreg:$0x5] =	wrdreg $0x19F800  }
0xb2: {  	[dreg:$0x6] =	wrdreg $0x9  }
0xb3: {  	_ =	task.clear_ibuf [dreg:s7], $0x7FFFF;
	_ =	strace $0x90000049  }
0xb4: {  	s29 =	simm.s32 $0x9;
	_ =	strace $0x8000004B  }
0xb5: {  	_ =	swait.ge [sflag:s29], $0x1  }
0xb6: {  	[sflag:s29] =	ssyncadd.s32 $0xFFFFFFFF  }
0xb7: {  	_ =	strace $0x9000004B  }
0xb8: {  	_ =	sfence  }
0xb9: {  	s30 =	sld [smem:$0x0];
	_ =	sdelay $0x2  }
0xba: {  	s31 =	sshll.u32 s1, $0xD;
	s1 =	sshrl.u32 s1, $0x2  }
0xbb: {  	s3 =	sand.u32 $0x4000, s31;
	s1 =	sadd.s32 s1, s30  }
0xbc: {  	s0 =	sor.u32 s3, s0;
	s1 =	sshll.u32 s1, $0x11  }
0xbd: {  	s0 =	sor.u32 s1, s0  }
0xbe: {  	s0 =	sadd.s32 $0x8F2B, s0  }
0xbf: {  	[sflag:s0] =	ssyncadd.remote.s32 $0x1  }
0xc0: {  	_ =	sfence.sel $0xFFFF  }
0xc1: {  	[dreg:$0x0] =	wrdreg $0xFFFFFFFF;
	(pc) =	sbr.abs _section_cstart, $3  }
0xc2: {  	[dreg:$0x1] =	wrdreg $0xFFFFFFFF  }
0xc3: {  	_ =	task.clear_ibuf [dreg:s7], $0x2FFFF;
	_ =	strace $0x9FFFFFFF  }
0xc4: {  	(tm) =	ssettm $0x7FFFFFFF  }
0xc5: {  	_ =	shalt  }
tec
execute0_lowered:
.L_overlay_start_1:
0x0: {  	(tag) =	ssettag $0x1  }
0x1: {  	s5 =	rddreg [dreg:$0x0]  }
0x2: {  	s9 =	rddreg [dreg:$0x1];
	s1 =	srdreg.scid  }
0x3: {  	s0 =	stileid.u32;
	s2 =	rddreg [dreg:$0x2]  }
0x4: {  	s3 =	rddreg [dreg:$0x3];
	s4 =	simm.s32 $0x0;
	s12 =	smul.u32 $0x2800, s0  }
0x5: {  	s6 =	sand.u32 $0x1, s1;
	s1 =	rddreg [dreg:$0x4];
	s13 =	smul.u32 $0x280, s0  }
0x6: {  	s28 =	sshll.u32 s0, $0x1;
	[smem:$0x7FF] =	sst s4;
	s10 =	smul.u32 $0x5000, s6  }
0x7: {  	s31 =	sshll.u32 s0, $0x6;
	s7 =	sor.u32 s6, s28;
	s15 =	smul.u32 $0x500, s6  }
0x8: {  	_ =	strace $0x8000004A;
	s29 =	ssub.s32 $0x2, s6;
	s8 =	smul.u32 $0x280, s7  }
0x9: {  	s7 =	smul.u32 $0x2710, s7;
	s30 =	sshrl.u32 s29, $0x1;
	s6 =	sadd.s32 s13, s3  }
0xa: {  	s17 =	sshrl.u32 s12, $0x3;
	s19 =	sshrl.u32 s13, $0x3;
	s13 =	simm.s32 $0x7D  }
0xb: {  	s10 =	sadd.s32 s10, s5;
	s14 =	ssub.s32 s29, s30;
	s18 =	sadd.s32 s9, s15  }
0xc: {  	s8 =	sadd.s32 s8, s5;
	s11 =	sadd.s32 s7, s5;
	s5 =	sadd.s32 s12, s2  }
0xd: {  	s16 =	sadd.s32 $0x5A000, s10;
	s9 =	smax.u32 s14, $0x1;
	s10 =	simm.s32 $0x14C80  }
0xe: {  	s12 =	simm.s32 $0x17480;
	s14 =	simm.s32 $0x17700;
	s7 =	sadd.s32 $0x55000, s8  }
0xf: {  	s8 =	sadd.s32 $0x1E00, s11;
	s11 =	simm.s32 $0x1;
	s15 =	sadd.s32 s17, s16  }
0x10: {  	v0 =	vimm.f32 $0.0e+00;
	v1 =	vimm.f32 $1.000000000e+00;
	s16 =	sor.u32 $0x1C01, s31;
	s17 =	sadd.s32 s19, s18;
	s18 =	sshrl.u32 s6, $0x3  }
.LBB2_1:
0x11: {  	s19 =	simm.s32 $0x40;
	s20 =	simm.s32 $0x0  }
.LBB2_2:
0x12: {  	p0 =	sne.s32 s19, $0x9FC0;
	[tilespmem:s20+$0x14C80] =	vst v0;
	s20 =	smov.u32 s19;
	s19 =	sadd.s32 $0x40, s19  }
.Ltmp0:
0x13: {  	(pc) =	sbr.rel @p0 .LBB2_2-.Ltmp0, $2  }
0x14: {  	_ =	sdelay $0x2  }
0x15: {  	s20 =	sshra.s32 s20, $0x2  }
0x16: {  	[tilespmem:s20+$0x14C80] =	vst v0  }
0x17: {  	[tilespmem:$0x17480] =	vst v0  }
0x18: {  	[tilespmem:$0x17490] =	vst v0  }
0x19: {  	[tilespmem:$0x174A0] =	vst v0  }
0x1a: {  	[tilespmem:$0x174B0] =	vst v0  }
0x1b: {  	[tilespmem:$0x174C0] =	vst v0  }
0x1c: {  	[tilespmem:$0x174D0] =	vst v0  }
0x1d: {  	[tilespmem:$0x174E0] =	vst v0  }
0x1e: {  	[tilespmem:$0x174F0] =	vst v0  }
0x1f: {  	[tilespmem:$0x17500] =	vst v0  }
0x20: {  	[tilespmem:$0x17510] =	vst v0  }
0x21: {  	[tilespmem:$0x17520] =	vst v0  }
0x22: {  	[tilespmem:$0x17530] =	vst v0  }
0x23: {  	[tilespmem:$0x17540] =	vst v0  }
0x24: {  	[tilespmem:$0x17550] =	vst v0  }
0x25: {  	[tilespmem:$0x17560] =	vst v0  }
0x26: {  	[tilespmem:$0x17570] =	vst v0  }
0x27: {  	[tilespmem:$0x17580] =	vst v0  }
0x28: {  	[tilespmem:$0x17590] =	vst v0  }
0x29: {  	[tilespmem:$0x175A0] =	vst v0  }
0x2a: {  	[tilespmem:$0x175B0] =	vst v0  }
0x2b: {  	[tilespmem:$0x175C0] =	vst v0  }
0x2c: {  	[tilespmem:$0x175D0] =	vst v0  }
0x2d: {  	[tilespmem:$0x175E0] =	vst v0  }
0x2e: {  	[tilespmem:$0x175F0] =	vst v0  }
0x2f: {  	[tilespmem:$0x17600] =	vst v0  }
0x30: {  	[tilespmem:$0x17610] =	vst v0  }
0x31: {  	[tilespmem:$0x17620] =	vst v0  }
0x32: {  	[tilespmem:$0x17630] =	vst v0  }
0x33: {  	[tilespmem:$0x17640] =	vst v0  }
0x34: {  	[tilespmem:$0x17650] =	vst v0  }
0x35: {  	[tilespmem:$0x17660] =	vst v0  }
0x36: {  	[tilespmem:$0x17670] =	vst v0  }
0x37: {  	[tilespmem:$0x17680] =	vst v0  }
0x38: {  	[tilespmem:$0x17690] =	vst v0  }
0x39: {  	[tilespmem:$0x176A0] =	vst v0  }
0x3a: {  	[tilespmem:$0x176B0] =	vst v0  }
0x3b: {  	[tilespmem:$0x176C0] =	vst v0  }
0x3c: {  	[tilespmem:$0x176D0] =	vst v0  }
0x3d: {  	[tilespmem:$0x176E0] =	vst v0  }
0x3e: {  	[tilespmem:$0x176F0] =	vst v0  }
0x3f: {  	[tilespmem:$0x17700] =	vst v1  }
0x40: {  	[tilespmem:$0x17710] =	vst v1  }
0x41: {  	[tilespmem:$0x17720] =	vst v1  }
0x42: {  	[tilespmem:$0x17730] =	vst v1  }
0x43: {  	[tilespmem:$0x17740] =	vst v1  }
0x44: {  	[tilespmem:$0x17750] =	vst v1  }
0x45: {  	[tilespmem:$0x17760] =	vst v1  }
0x46: {  	[tilespmem:$0x17770] =	vst v1  }
0x47: {  	[spmem:s5] =	stream.linear.scatter [tilespmem:s10], [sflag:$0x1], $0x2800, $0x38;
	[tilespmem:$0x1A200] =	vst v63  }
0x48: {  	_ =	swait.ge [sflag:s11], $0x2800  }
0x49: {  	[sflag:s11] =	ssyncset.done $0x0  }
0x4a: {  	[sflag:s11] =	ssyncadd.s32 $0xFFFFD800  }
0x4b: {  	[spmem:s6] =	stream.linear.scatter [tilespmem:s12], [sflag:$0x1], $0x280, $0x38;
	[tilespmem:$0x1A200] =	vst v63  }
0x4c: {  	_ =	swait.ge [sflag:s11], $0x280  }
0x4d: {  	[sflag:s11] =	ssyncset.done $0x0  }
0x4e: {  	[sflag:s11] =	ssyncadd.s32 $0xFFFFFD80  }
0x4f: {  	s19 =	simm.s32 $0x0;
	[bflag:$0x0] =	sbarrier.arrive $0xFFFF  }
0x50: {  	[tilespmem:s19], [sflag:$0x1] =	stream.linear.gather [hbm4b:s7+s19], $0x1400, $0x38;
	[tilespmem:$0x1A200] =	vst v63  }
0x51: {  	_ =	swait.ge [sflag:s11], $0x1400  }
0x52: {  	[sflag:s11] =	ssyncset.done $0x0  }
0x53: {  	s30 =	simm.s32 $0x1400;
	[sflag:s11] =	ssyncadd.s32 $0xFFFFEC00  }
0x54: {  	[tilespmem:s30], [sflag:$0x1] =	stream.linear.gather [hbm4b:s8+s19], $0x13880, $0x38;
	[tilespmem:$0x1A200] =	vst v63  }
0x55: {  	_ =	swait.ge [sflag:s11], $0x13880  }
0x56: {  	[sflag:s11] =	ssyncset.done $0x0  }
0x57: {  	s31 =	simm.s32 $0x0;
	[sflag:s11] =	ssyncadd.s32 $0xFFFEC780  }
0x58: {  	[spmem:s2] =	stream.indirect.scatter.add.f32 [tilespmem:s30], [sflag:$0x1], $0x10, s31, s13, $0xb8;
	[tilespmem:$0x1A200] =	vst v63  }
0x59: {  	_ =	swait.ge [sflag:s11], $0x7D0  }
0x5a: {  	[sflag:s11] =	ssyncset.done $0x0  }
0x5b: {  	[sflag:s11] =	ssyncadd.s32 $0xFFFFF830  }
0x5c: {  	[spmem:s3] =	stream.indirect.scatter.add.f32 [tilespmem:s14], [sflag:$0x1], $0x1, s31, s13, $0xb8;
	[tilespmem:$0x1A200] =	vst v63  }
0x5d: {  	s21 =	simm.s32 $0x400;
	_ =	swait.ge [sflag:s11], $0x7D  }
0x5e: {  	s20 =	simm.s32 $0x1BD0;
	s19 =	simm.s32 $0x200;
	[sflag:s11] =	ssyncset.done $0x0  }
.LBB2_4:
0x5f: {  	s22 =	sshra.s32 s19, $0x2  }
0x60: {  	[sflag:s11] =	ssyncadd.s32 $0xFFFFFF83;
	s19 =	smov.u32 s21;
	s23 =	sadd.s32 $0x200, s21  }
0x61: {  	[spmem:s2] =	stream.indirect.scatter.add.f32 [tilespmem:s20], [sflag:$0x1], $0x10, s22, s13, $0xb8;
	[tilespmem:$0x1A200] =	vst v63  }
0x62: {  	p0 =	sne.s32 s21, $0x4E00;
	_ =	swait.ge [sflag:s11], $0x7D0  }
.Ltmp1:
0x63: {  	[sflag:s11] =	ssyncset.done $0x0;
	(pc) =	sbr.rel @p0 .LBB2_4-.Ltmp1, $4  }
0x64: {  	[sflag:s11] =	ssyncadd.s32 $0xFFFFF830  }
0x65: {  	[spmem:s3] =	stream.indirect.scatter.add.f32 [tilespmem:s14], [sflag:$0x1], $0x1, s22, s13, $0xb8;
	[tilespmem:$0x1A200] =	vst v63  }
0x66: {  	_ =	swait.ge [sflag:s11], $0x7D  }
0x67: {  	s20 =	sadd.s32 $0x7D0, s20;
	s21 =	smov.u32 s23;
	[sflag:s11] =	ssyncset.done $0x0  }
0x68: {  	s19 =	sshra.s32 s19, $0x2;
	[sflag:s11] =	ssyncadd.s32 $0xFFFFFF83  }
0x69: {  	[spmem:s2] =	stream.indirect.scatter.add.f32 [tilespmem:s20], [sflag:$0x1], $0x10, s19, s13, $0xb8;
	[tilespmem:$0x1A200] =	vst v63  }
0x6a: {  	_ =	swait.ge [sflag:s11], $0x7D0  }
0x6b: {  	[sflag:s11] =	ssyncset.done $0x0  }
0x6c: {  	[sflag:s11] =	ssyncadd.s32 $0xFFFFF830  }
0x6d: {  	[spmem:s3] =	stream.indirect.scatter.add.f32 [tilespmem:s14], [sflag:$0x1], $0x1, s19, s13, $0xb8;
	[tilespmem:$0x1A200] =	vst v63  }
0x6e: {  	_ =	swait.ge [sflag:s11], $0x7D  }
0x6f: {  	[sflag:s11] =	ssyncset.done $0x0  }
0x70: {  	[sflag:s11] =	ssyncadd.s32 $0xFFFFFF83  }
0x71: {  	s31 =	sshrl.u32 s5, $0x3;
	[bflag:$0x0] =	sbarrier.arrive $0xFFFF  }
0x72: {  	[hbm:s15], [sflag:s16] =	dma.local [spmem:s31], $0x500  }
0x73: {  	s4 =	sadd.s32 $0x1, s4;
	_ =	swait.ge [sflag:s11], $0x500  }
0x74: {  	p0 =	sne.s32 s4, s9;
	[sflag:s11] =	ssyncset.done $0x0  }
.Ltmp2:
0x75: {  	[sflag:s11] =	ssyncadd.s32 $0xFFFFFB00;
	(pc) =	sbr.rel @p0 .LBB2_1-.Ltmp2, $4  }
0x76: {  	[hbm:s17], [sflag:s16] =	dma.local [spmem:s18], $0x50  }
0x77: {  	_ =	swait.ge [sflag:s11], $0x50  }
0x78: {  	[sflag:s11] =	ssyncset.done $0x0  }
0x79: {  	[sflag:s11] =	ssyncadd.s32 $0xFFFFFFB0  }
0x7a: {  	_ =	sfence.sel $0x180000  }
0x7b: {  	[bflag:$0x0] =	sbarrier.arrive $0xFFFF  }
0x7c: {  	p0 =	sne.s32 s0, $0x0;
	_ =	strace $0x9000004A  }
0x7d: {  	s0 =	sadd.s32 @!p0 $0x100000, s1;
	[bflag:$0x2] =	sbarrier.arrive $0xFFFF  }
0x7e: {  	[sflag:s0] =	ssyncadd.tile.s32 @!p0 $0x1;
	_ =	shalt  }
.Lfunc_end2:
_tile_overlayer_lowered:
.L_overlay_start_2:
0x7f: {  	(tag) =	ssettag $0x2  }
0x80: {  	s0 =	rddreg [dreg:$0x0];
	s2 =	stileid.u32  }
0x81: {  	s1 =	rddreg [dreg:$0x1];
	p0 =	sne.s32 s2, $0x0  }
0x82: {  	s3 =	rddreg [dreg:$0x2];
	[bflag:$0x3] =	sbarrier.arrive $0xFFFF;
	s2 =	simm.s32 @!p0 $0x1C01  }
0x83: {  	[timem:s3], [sflag:s2] =	dma.local @!p0 [hbm:s0], s1  }
0x84: {  	s0 =	simm.s32 @!p0 $0x1  }
0x85: {  	_ =	swait.ge @!p0 [sflag:s0], s1  }
0x86: {  	s1 =	ssub.s32 @!p0 $0x0, s1;
	[sflag:s0] =	ssyncset.done @!p0 $0x0  }
0x87: {  	[sflag:s0] =	ssyncadd.s32 @!p0 s1  }
0x88: {  	[bflag:$0x3] =	sbarrier.arrive $0xFFFF  }
0x89: {  	_ =	shalt  }

</sc_bundles>
